<compile_context>
chip_gen: v7x
topology: tpu7x:2x2x1
jax: 0.10.2.dev20260603
libtpu: 0.0.44.dev20260713+nightly
codegen_flags: <defaults>
</compile_context>

<pallas_src>
import functools

import jax
import jax.numpy as jnp
from jax import lax
from jax.experimental import pallas as pl
from jax.experimental.pallas import tpu as pltpu
from jax.experimental.pallas import tpu_sc as plsc



def _knn_body(S, b_off, x1_ref, x2_ref, idx_ref, w_ref):
    x1 = x1_ref[0]
    x2 = x2_ref[0]
    TN = x1.shape[1]
    n1 = jnp.sum(x1 * x1, axis=0, keepdims=True)
    n2 = jnp.sum(x2 * x2, axis=1, keepdims=True)
    cross = jnp.dot(x2, x1, preferred_element_type=jnp.float32)
    d = -2.0 * cross
    d = d + n1
    d = d + n2
    iota_s = lax.broadcasted_iota(jnp.int32, (S, TN), 0)
    mins, idxs = [], []
    for k in range(3):
        m = jnp.min(d, axis=0, keepdims=True)
        sel = jnp.where(d == m, iota_s, S)
        ik = jnp.min(sel, axis=0, keepdims=True)
        mins.append(m)
        idxs.append(ik)
        if k < 2:
            d = jnp.where(iota_s == ik, jnp.inf, d)
    r = [1.0 / (m + 1e-8) for m in mins]
    norm = r[0] + r[1] + r[2]
    b = pl.program_id(0)
    off = (b + b_off) * S
    idx_ref[0] = jnp.concatenate([ik + off for ik in idxs], axis=0)
    w_ref[0] = jnp.concatenate([ri / norm for ri in r], axis=0)


def _knn_call(xyz1, x2t, b_off, TN=4096):
    B, _, N = xyz1.shape
    S = x2t.shape[1]
    grid = (B, N // TN)
    return pl.pallas_call(
        functools.partial(_knn_body, S, b_off),
        grid=grid,
        in_specs=[
            pl.BlockSpec((1, 3, TN), lambda b, i: (b, 0, i)),
            pl.BlockSpec((1, S, 3), lambda b, i: (b, 0, 0)),
        ],
        out_specs=[
            pl.BlockSpec((1, 3, TN), lambda b, i: (b, 0, i)),
            pl.BlockSpec((1, 3, TN), lambda b, i: (b, 0, i)),
        ],
        out_shape=[
            jax.ShapeDtypeStruct((B, 3, N), jnp.int32),
            jax.ShapeDtypeStruct((B, 3, N), jnp.float32),
        ],
        compiler_params=pltpu.CompilerParams(
            dimension_semantics=("parallel", "parallel")),
    )(xyz1, x2t)



def _sc_gather_call(table, idx_flat):
    NIDX = idx_flat.shape[0]
    D = table.shape[1]
    NW = 32
    per_w = NIDX // NW
    for CH in (128, 96, 64, 32):
        if per_w % (2 * CH) == 0:
            break
    n_ch = per_w // CH
    mesh = plsc.VectorSubcoreMesh(core_axis_name="c", subcore_axis_name="s")

    @functools.partial(
        pl.kernel,
        out_type=jax.ShapeDtypeStruct((NIDX, D), jnp.float32),
        mesh=mesh,
        scratch_types=[
            pltpu.VMEM((per_w,), jnp.int32),
            pltpu.VMEM((CH, D), jnp.float32),
            pltpu.VMEM((CH, D), jnp.float32),
            pltpu.SemaphoreType.DMA,
            pltpu.SemaphoreType.DMA,
        ],
    )
    def sc_gather(table_hbm, idx_hbm, out_hbm, idx_v, buf0, buf1, sem0, sem1):
        wid = lax.axis_index("s") * 2 + lax.axis_index("c")
        base = wid * per_w
        pltpu.sync_copy(idx_hbm.at[pl.ds(base, per_w)], idx_v)

        def mk_in(c, buf, sem):
            return pltpu.make_async_copy(
                table_hbm.at[idx_v.at[pl.ds(c * CH, CH)]], buf, sem)

        mk_in(0, buf0, sem0).start()

        @pl.loop(0, n_ch // 2)
        def _(i):
            c0 = 2 * i
            mk_in(c0 + 1, buf1, sem1).start()
            mk_in(c0, buf0, sem0).wait()
            pltpu.sync_copy(buf0, out_hbm.at[pl.ds(base + c0 * CH, CH)])

            @pl.when(i < n_ch // 2 - 1)
            def _():
                mk_in(c0 + 2, buf0, sem0).start()

            mk_in(c0 + 1, buf1, sem1).wait()
            pltpu.sync_copy(buf1, out_hbm.at[pl.ds(base + (c0 + 1) * CH, CH)])

    return sc_gather(table, idx_flat)



def _mlp0_body(g_ref, w_ref, p1_ref, w0a_ref, w0b_ref, b0_ref,
               y_ref, s_ref, ss_ref):
    g = g_ref[0].astype(jnp.float32)
    w = w_ref[0]
    T = g.shape[1]
    interp = (g[0] * w[0].reshape(T, 1) + g[1] * w[1].reshape(T, 1)
              + g[2] * w[2].reshape(T, 1))
    p1 = p1_ref[0]
    ya = lax.dot_general(p1, w0a_ref[...], (((0,), (0,)), ((), ())),
                         preferred_element_type=jnp.float32)
    yb = jnp.dot(interp, w0b_ref[...], preferred_element_type=jnp.float32)
    y = ya + yb + b0_ref[...]
    y_ref[0] = y.astype(jnp.bfloat16)
    s_ref[0, 0] = jnp.sum(y, axis=0, keepdims=True)
    ss_ref[0, 0] = jnp.sum(y * y, axis=0, keepdims=True)


def _mlp0_call(gathered, ws, points1, W0T, b0r, T=4096):
    B, _, N, C2 = gathered.shape
    C1 = points1.shape[1]
    NT = N // T
    return pl.pallas_call(
        _mlp0_body,
        grid=(B, NT),
        in_specs=[
            pl.BlockSpec((1, 3, T, C2), lambda b, i: (b, 0, i, 0)),
            pl.BlockSpec((1, 3, T), lambda b, i: (b, 0, i)),
            pl.BlockSpec((1, C1, T), lambda b, i: (b, 0, i)),
            pl.BlockSpec((C1, 128), lambda b, i: (0, 0)),
            pl.BlockSpec((C2, 128), lambda b, i: (0, 0)),
            pl.BlockSpec((1, 128), lambda b, i: (0, 0)),
        ],
        out_specs=[
            pl.BlockSpec((1, T, 128), lambda b, i: (b, i, 0)),
            pl.BlockSpec((1, 1, 1, 128), lambda b, i: (b, i, 0, 0)),
            pl.BlockSpec((1, 1, 1, 128), lambda b, i: (b, i, 0, 0)),
        ],
        out_shape=[
            jax.ShapeDtypeStruct((B, N, 128), jnp.bfloat16),
            jax.ShapeDtypeStruct((B, NT, 1, 128), jnp.float32),
            jax.ShapeDtypeStruct((B, NT, 1, 128), jnp.float32),
        ],
        compiler_params=pltpu.CompilerParams(
            dimension_semantics=("parallel", "parallel")),
    )(gathered, ws, points1, W0T[:C1], W0T[C1:], b0r)



def _bn_params(sp, ssp, g, be, M):
    s = jnp.sum(sp, axis=(0, 1, 2))[None, :]
    ss = jnp.sum(ssp, axis=(0, 1, 2))[None, :]
    mean = s * (1.0 / M)
    var = ss * (1.0 / M) - mean * mean
    a = g * lax.rsqrt(var + 1e-5)
    c = be - mean * a
    return a, c


def _mlp1_body(M, Bh, y0a_ref, y0b_ref, spa_ref, spb_ref, ssa_ref, ssb_ref,
               g_ref, be_ref, w1_ref, b1_ref, y_ref, s_ref, ss_ref):
    sm = (jnp.sum(spa_ref[...], axis=(0, 1, 2))
          + jnp.sum(spb_ref[...], axis=(0, 1, 2)))[None, :]
    ssm = (jnp.sum(ssa_ref[...], axis=(0, 1, 2))
           + jnp.sum(ssb_ref[...], axis=(0, 1, 2)))[None, :]
    mean = sm * (1.0 / M)
    var = ssm * (1.0 / M) - mean * mean
    a = g_ref[...] * lax.rsqrt(var + 1e-5)
    c = be_ref[...] - mean * a
    b = pl.program_id(0)
    y0 = jnp.where(b < Bh, y0a_ref[0], y0b_ref[0]).astype(jnp.float32)
    h = jnp.maximum(y0 * a + c, 0.0)
    y = jnp.dot(h, w1_ref[...], preferred_element_type=jnp.float32) + b1_ref[...]
    y_ref[0] = y.astype(jnp.bfloat16)
    s_ref[0, 0] = jnp.sum(y, axis=0, keepdims=True)
    ss_ref[0, 0] = jnp.sum(y * y, axis=0, keepdims=True)


def _mlp1_call(y0a, y0b, s0a, s0b, ss0a, ss0b, g0r, be0r, W1T, b1r, T=4096):
    Bh, N, _ = y0a.shape
    B = 2 * Bh
    NT = N // T
    M = float(B * N)
    return pl.pallas_call(
        functools.partial(_mlp1_body, M, Bh),
        grid=(B, NT),
        in_specs=[
            pl.BlockSpec((1, T, 128),
                         lambda b, i: (jnp.minimum(b, Bh - 1),
                                       jnp.where(b < Bh, i, NT - 1), 0)),
            pl.BlockSpec((1, T, 128),
                         lambda b, i: (jnp.maximum(b - Bh, 0),
                                       jnp.where(b < Bh, 0, i), 0)),
            pl.BlockSpec((Bh, NT, 1, 128), lambda b, i: (0, 0, 0, 0)),
            pl.BlockSpec((Bh, NT, 1, 128), lambda b, i: (0, 0, 0, 0)),
            pl.BlockSpec((Bh, NT, 1, 128), lambda b, i: (0, 0, 0, 0)),
            pl.BlockSpec((Bh, NT, 1, 128), lambda b, i: (0, 0, 0, 0)),
            pl.BlockSpec((1, 128), lambda b, i: (0, 0)),
            pl.BlockSpec((1, 128), lambda b, i: (0, 0)),
            pl.BlockSpec((128, 128), lambda b, i: (0, 0)),
            pl.BlockSpec((1, 128), lambda b, i: (0, 0)),
        ],
        out_specs=[
            pl.BlockSpec((1, T, 128), lambda b, i: (b, i, 0)),
            pl.BlockSpec((1, 1, 1, 128), lambda b, i: (b, i, 0, 0)),
            pl.BlockSpec((1, 1, 1, 128), lambda b, i: (b, i, 0, 0)),
        ],
        out_shape=[
            jax.ShapeDtypeStruct((B, N, 128), jnp.bfloat16),
            jax.ShapeDtypeStruct((B, NT, 1, 128), jnp.float32),
            jax.ShapeDtypeStruct((B, NT, 1, 128), jnp.float32),
        ],
        compiler_params=pltpu.CompilerParams(
            dimension_semantics=("parallel", "parallel")),
    )(y0a, y0b, s0a, s0b, ss0a, ss0b, g0r, be0r, W1T, b1r)



def _out_body(M, y1_ref, sp_ref, ssp_ref, g_ref, be_ref, o_ref):
    a, c = _bn_params(sp_ref[...], ssp_ref[...], g_ref[...], be_ref[...], M)
    h = jnp.maximum(y1_ref[0].astype(jnp.float32) * a + c, 0.0)
    o_ref[0] = h.T


def _out_call(y1, s1p, ss1p, g1r, be1r, T=4096):
    B, N, _ = y1.shape
    NT = N // T
    M = float(B * N)
    return pl.pallas_call(
        functools.partial(_out_body, M),
        grid=(B, NT),
        in_specs=[
            pl.BlockSpec((1, T, 128), lambda b, i: (b, i, 0)),
            pl.BlockSpec((B, NT, 1, 128), lambda b, i: (0, 0, 0, 0)),
            pl.BlockSpec((B, NT, 1, 128), lambda b, i: (0, 0, 0, 0)),
            pl.BlockSpec((1, 128), lambda b, i: (0, 0)),
            pl.BlockSpec((1, 128), lambda b, i: (0, 0)),
        ],
        out_specs=pl.BlockSpec((1, 128, T), lambda b, i: (b, 0, i)),
        out_shape=jax.ShapeDtypeStruct((B, 128, N), jnp.float32),
        compiler_params=pltpu.CompilerParams(
            dimension_semantics=("parallel", "parallel")),
    )(y1, s1p, ss1p, g1r, be1r)



def kernel(xyz1, xyz2, points1, points2, W0, b0, g0, be0, W1, b1, g1, be1):
    B, _, N = xyz1.shape
    S = xyz2.shape[2]
    C2 = points2.shape[1]

    x2t = jnp.transpose(xyz2, (0, 2, 1))
    p2flat = jnp.transpose(points2, (0, 2, 1)).reshape(B * S, C2)

    W0T = jnp.transpose(W0)
    W1T = jnp.transpose(W1)
    b0r = b0.reshape(1, 128)
    g0r = g0.reshape(1, 128)
    be0r = be0.reshape(1, 128)
    b1r = b1.reshape(1, 128)
    g1r = g1.reshape(1, 128)
    be1r = be1.reshape(1, 128)

    Bh = B // 2
    halves = []
    for h in (0, 1):
        sl = slice(h * Bh, (h + 1) * Bh)
        idxs, ws = _knn_call(xyz1[sl], x2t[sl], h * Bh)
        gath = _sc_gather_call(p2flat, idxs.reshape(Bh * 3 * N))
        gath = gath.reshape(Bh, 3, N, C2)
        halves.append(_mlp0_call(gath, ws, points1[sl], W0T, b0r))
    (y0a, s0a, ss0a), (y0b, s0b, ss0b) = halves
    y1, s1p, ss1p = _mlp1_call(y0a, y0b, s0a, s0b, ss0a, ss0b,
                               g0r, be0r, W1T, b1r)
    out = _out_call(y1, s1p, ss1p, g1r, be1r)
    return out

# --- scband reference (transcript-rebuilt; emitter-appended) ---
"""Pipeline reference for scband-point-net-feature-propagation-85358180040864 (READ-ONLY COPY).

The authoritative reference and input builder live on the scoring server;
editing this copy changes nothing except your own understanding.
"""

import jax, jax.numpy as jnp
import numpy as np


def setup_inputs(seed: int = 0) -> dict:
    key = jax.random.key(seed)
    ks = jax.random.split(key, 8)
    B, N, S, C1, C2 = 8, 4096, 1024, 64, 128
    xyz1 = jax.random.normal(ks[0], (B, 3, N), jnp.float32)
    xyz2 = jax.random.normal(ks[1], (B, 3, S), jnp.float32)
    points1 = jax.random.normal(ks[2], (B, C1, N), jnp.float32)
    points2 = jax.random.normal(ks[3], (B, C2, S), jnp.float32)
    in_ch = C1 + C2
    W0 = jax.random.normal(ks[4], (128, in_ch), jnp.float32) * (1.0 / np.sqrt(in_ch))
    b0 = jnp.zeros((128,), jnp.float32)
    g0 = jnp.ones((128,), jnp.float32)
    be0 = jnp.zeros((128,), jnp.float32)
    W1 = jax.random.normal(ks[5], (128, 128), jnp.float32) * (1.0 / np.sqrt(128))
    b1 = jnp.zeros((128,), jnp.float32)
    g1 = jnp.ones((128,), jnp.float32)
    be1 = jnp.zeros((128,), jnp.float32)
    return {"xyz1": xyz1, "xyz2": xyz2, "points1": points1, "points2": points2,
            "W0": W0, "b0": b0, "g0": g0, "be0": be0,
            "W1": W1, "b1": b1, "g1": g1, "be1": be1}


def _fp(xyz1, xyz2, points1, points2, W0, b0, g0, be0, W1, b1, g1, be1):
    x1 = jnp.transpose(xyz1, (0, 2, 1))  # [B,N,3]
    x2 = jnp.transpose(xyz2, (0, 2, 1))  # [B,S,3]
    p2 = jnp.transpose(points2, (0, 2, 1))  # [B,S,C2]
    B, N, _ = x1.shape
    # square_distance
    dist = -2.0 * jnp.einsum('bnd,bmd->bnm', x1, x2)
    dist = dist + jnp.sum(x1 ** 2, axis=-1)[:, :, None]
    dist = dist + jnp.sum(x2 ** 2, axis=-1)[:, None, :]
    # 3 smallest distances (== sort ascending, take first 3)
    negd, idx = jax.lax.top_k(-dist, 3)
    d3 = -negd  # [B,N,3]
    dist_recip = 1.0 / (d3 + 1e-8)
    norm = jnp.sum(dist_recip, axis=2, keepdims=True)
    weight = dist_recip / norm  # [B,N,3]
    bidx = jnp.arange(B)[:, None, None]
    gathered = p2[bidx, idx]  # [B,N,3,C2]
    interpolated = jnp.sum(gathered * weight[..., None], axis=2)  # [B,N,C2]
    p1 = jnp.transpose(points1, (0, 2, 1))  # [B,N,C1]
    new_points = jnp.concatenate([p1, interpolated], axis=-1)  # [B,N,C1+C2]
    x = jnp.transpose(new_points, (0, 2, 1))  # [B,C,N]
    for (W, b, g, be) in ((W0, b0, g0, be0), (W1, b1, g1, be1)):
        x = jnp.einsum('oc,bcn->bon', W, x) + b[None, :, None]
        mean = jnp.mean(x, axis=(0, 2), keepdims=True)
        var = jnp.mean((x - mean) ** 2, axis=(0, 2), keepdims=True)
        x = (x - mean) / jnp.sqrt(var + 1e-5)
        x = x * g[None, :, None] + be[None, :, None]
        x = jax.nn.relu(x)
    return x


def reference(xyz1, xyz2, points1, points2, W0, b0, g0, be0, W1, b1, g1, be1):
    return _fp(xyz1, xyz2, points1, points2, W0, b0, g0, be0, W1, b1, g1, be1)

if __name__ == "__main__":
    import jax
    _d = setup_inputs()
    print(jax.jit(kernel)(*tuple(_d.values())))

</pallas_src>

<mosaic_0001>
#map = affine_map<(d0, d1) -> (0, 0)>
#map1 = affine_map<(d0, d1) -> (0)>
module attributes {stable_mosaic.version = 14 : i64} {
  func.func @sc_gather(%arg0: i32, %arg1: i32, %arg2: memref<8192x128xf32, #tpu.memory_space<hbm>>, %arg3: memref<49152xi32, #tpu.memory_space<hbm>>, %arg4: memref<49152x128xf32, #tpu.memory_space<hbm>>, %arg5: memref<1536xi32, #tpu.memory_space<vmem>>, %arg6: memref<128x128xf32, #tpu.memory_space<vmem>>, %arg7: memref<128x128xf32, #tpu.memory_space<vmem>>, %arg8: memref<!tpu.dma_semaphore, #tpu.memory_space<semaphore_mem>>, %arg9: memref<!tpu.dma_semaphore, #tpu.memory_space<semaphore_mem>>) attributes {dimension_semantics = [#tpu.dimension_semantics<core_parallel>, #tpu.dimension_semantics<subcore_parallel>], iteration_bounds = array<i64: 2, 16>, scalar_prefetch = 0 : i64, scratch_operands = 5 : i64, tpu.core_type = #tpu.core_type<sc_vector_subcore>, window_params = [{transform_indices = #map}, {transform_indices = #map1}, {transform_indices = #map}]} {
    %mul3A = arith.constant 2 : i32
    %mul3A_0 = arith.muli %arg1, %mul3A : i32
    %add3A = arith.addi %mul3A_0, %arg0 : i32
    %mul3A_1 = arith.constant 1536 : i32
    %mul3A_2 = arith.muli %add3A, %mul3A_1 : i32
    "tpu.region"() ({
      %run_scoped3A = tpu.sem_alloc : memref<!tpu.dma_semaphore, #tpu.memory_space<semaphore_mem>>
      %dma_start3A_11 = tpu.memref_slice %arg3[%mul3A_2] : memref<49152xi32, #tpu.memory_space<hbm>> -> memref<1536xi32, #tpu.memory_space<hbm>>
      %dma_start3A_12 = tpu.memref_slice %arg3[%mul3A_2] : memref<49152xi32, #tpu.memory_space<hbm>> -> memref<1536xi32, #tpu.memory_space<hbm>>
      tpu.enqueue_dma source(%dma_start3A_12 : memref<1536xi32, #tpu.memory_space<hbm>>) target(%arg5 : memref<1536xi32, #tpu.memory_space<vmem>>) target_semaphore(%run_scoped3A : memref<!tpu.dma_semaphore, #tpu.memory_space<semaphore_mem>>)
      %dma_wait3A = tpu.memref_slice %arg3[%mul3A_2] : memref<49152xi32, #tpu.memory_space<hbm>> -> memref<1536xi32, #tpu.memory_space<hbm>>
      %dma_wait3A_13 = tpu.memref_slice %arg3[%mul3A_2] : memref<49152xi32, #tpu.memory_space<hbm>> -> memref<1536xi32, #tpu.memory_space<hbm>>
      tpu.wait_dma2 semaphore(%run_scoped3A : memref<!tpu.dma_semaphore, #tpu.memory_space<semaphore_mem>>) src(%dma_wait3A_13 : memref<1536xi32, #tpu.memory_space<hbm>>) dst(%arg5 : memref<1536xi32, #tpu.memory_space<vmem>>)
      tpu.yield
    }) : () -> ()
    %dma_start3A = arith.constant 0 : i32
    %dma_start3A_3 = tpu.memref_slice %arg5[%dma_start3A] : memref<1536xi32, #tpu.memory_space<vmem>> -> memref<128xi32, #tpu.memory_space<vmem>>
    %dma_start3A_4 = arith.constant 0 : i32
    %dma_start3A_5 = arith.constant 0 : i32
    %dma_start3A_6 = tpu.memref_slice %arg2[%dma_start3A_4, %dma_start3A_5] : memref<8192x128xf32, #tpu.memory_space<hbm>> -> memref<8192x128xf32, #tpu.memory_space<hbm>>
    tpu.enqueue_indirect_dma source(%dma_start3A_6 : memref<8192x128xf32, #tpu.memory_space<hbm>>) target(%arg6 : memref<128x128xf32, #tpu.memory_space<vmem>>) offsets(%dma_start3A_3 : memref<128xi32, #tpu.memory_space<vmem>>) semaphore(%arg8 : memref<!tpu.dma_semaphore, #tpu.memory_space<semaphore_mem>>)
    %scan3A = arith.constant 0 : i32
    %scan3A_7 = arith.constant 6 : i32
    %scan3A_8 = arith.addi %scan3A, %scan3A_7 : i32
    %scan3A_9 = arith.constant 1 : i32
    scf.for %scan3A_11 = %scan3A to %scan3A_8 step %scan3A_9  : i32 {
      %mul3A_12 = arith.constant 1 : i32
      %mul3A_13 = arith.muli %scan3A_11, %mul3A_12 : i32
      %add3A_14 = arith.constant 0 : i32
      %add3A_15 = arith.addi %add3A_14, %mul3A_13 : i32
      %mul3A_16 = arith.constant 2 : i32
      %mul3A_17 = arith.muli %mul3A_16, %add3A_15 : i32
      %add3A_18 = arith.constant 1 : i32
      %add3A_19 = arith.addi %mul3A_17, %add3A_18 : i32
      %mul3A_20 = arith.constant 128 : i32
      %mul3A_21 = arith.muli %add3A_19, %mul3A_20 : i32
      %dma_start3A_22 = tpu.memref_slice %arg5[%mul3A_21] : memref<1536xi32, #tpu.memory_space<vmem>> -> memref<128xi32, #tpu.memory_space<vmem>>
      %dma_start3A_23 = arith.constant 0 : i32
      %dma_start3A_24 = arith.constant 0 : i32
      %dma_start3A_25 = tpu.memref_slice %arg2[%dma_start3A_23, %dma_start3A_24] : memref<8192x128xf32, #tpu.memory_space<hbm>> -> memref<8192x128xf32, #tpu.memory_space<hbm>>
      tpu.enqueue_indirect_dma source(%dma_start3A_25 : memref<8192x128xf32, #tpu.memory_space<hbm>>) target(%arg7 : memref<128x128xf32, #tpu.memory_space<vmem>>) offsets(%dma_start3A_22 : memref<128xi32, #tpu.memory_space<vmem>>) semaphore(%arg9 : memref<!tpu.dma_semaphore, #tpu.memory_space<semaphore_mem>>)
      %mul3A_26 = arith.constant 128 : i32
      %mul3A_27 = arith.muli %mul3A_17, %mul3A_26 : i32
      %dma_wait3A = tpu.memref_slice %arg5[%mul3A_27] : memref<1536xi32, #tpu.memory_space<vmem>> -> memref<128xi32, #tpu.memory_space<vmem>>
      %dma_wait3A_28 = arith.constant 0 : i32
      %dma_wait3A_29 = arith.constant 0 : i32
      %dma_wait3A_30 = tpu.memref_slice %arg2[%dma_wait3A_28, %dma_wait3A_29] : memref<8192x128xf32, #tpu.memory_space<hbm>> -> memref<8192x128xf32, #tpu.memory_space<hbm>>
      tpu.wait_indirect_dma semaphore(%arg8 : memref<!tpu.dma_semaphore, #tpu.memory_space<semaphore_mem>>) src(%dma_wait3A_30 : memref<8192x128xf32, #tpu.memory_space<hbm>>) dst(%arg6 : memref<128x128xf32, #tpu.memory_space<vmem>>)
      %mul3A_31 = arith.constant 128 : i32
      %mul3A_32 = arith.muli %mul3A_17, %mul3A_31 : i32
      %add3A_33 = arith.addi %mul3A_2, %mul3A_32 : i32
      "tpu.region"() ({
        %run_scoped3A = tpu.sem_alloc : memref<!tpu.dma_semaphore, #tpu.memory_space<semaphore_mem>>
        %dma_start3A_49 = arith.constant 0 : i32
        %dma_start3A_50 = tpu.memref_slice %arg4[%add3A_33, %dma_start3A_49] : memref<49152x128xf32, #tpu.memory_space<hbm>> -> memref<128x128xf32, #tpu.memory_space<hbm>>
        %dma_start3A_51 = arith.constant 0 : i32
        %dma_start3A_52 = tpu.memref_slice %arg4[%add3A_33, %dma_start3A_51] : memref<49152x128xf32, #tpu.memory_space<hbm>> -> memref<128x128xf32, #tpu.memory_space<hbm>>
        tpu.enqueue_dma source(%arg6 : memref<128x128xf32, #tpu.memory_space<vmem>>) target(%dma_start3A_52 : memref<128x128xf32, #tpu.memory_space<hbm>>) target_semaphore(%run_scoped3A : memref<!tpu.dma_semaphore, #tpu.memory_space<semaphore_mem>>)
        %dma_wait3A_53 = arith.constant 0 : i32
        %dma_wait3A_54 = tpu.memref_slice %arg4[%add3A_33, %dma_wait3A_53] : memref<49152x128xf32, #tpu.memory_space<hbm>> -> memref<128x128xf32, #tpu.memory_space<hbm>>
        %dma_wait3A_55 = arith.constant 0 : i32
        %dma_wait3A_56 = tpu.memref_slice %arg4[%add3A_33, %dma_wait3A_55] : memref<49152x128xf32, #tpu.memory_space<hbm>> -> memref<128x128xf32, #tpu.memory_space<hbm>>
        tpu.wait_dma2 semaphore(%run_scoped3A : memref<!tpu.dma_semaphore, #tpu.memory_space<semaphore_mem>>) src(%arg6 : memref<128x128xf32, #tpu.memory_space<vmem>>) dst(%dma_wait3A_56 : memref<128x128xf32, #tpu.memory_space<hbm>>)
        tpu.yield
      }) : () -> ()
      %lt3A = arith.constant 5 : i32
      %lt3A_34 = arith.cmpi slt, %add3A_15, %lt3A : i32
      %convert_element_type3A = arith.extui %lt3A_34 : i1 to i32
      %cond3A = arith.constant 0 : i32
      %cond3A_35 = arith.cmpi ne, %convert_element_type3A, %cond3A : i32
      scf.if %cond3A_35 {
        %add3A_49 = arith.constant 2 : i32
        %add3A_50 = arith.addi %mul3A_17, %add3A_49 : i32
        %mul3A_51 = arith.constant 128 : i32
        %mul3A_52 = arith.muli %add3A_50, %mul3A_51 : i32
        %dma_start3A_53 = tpu.memref_slice %arg5[%mul3A_52] : memref<1536xi32, #tpu.memory_space<vmem>> -> memref<128xi32, #tpu.memory_space<vmem>>
        %dma_start3A_54 = arith.constant 0 : i32
        %dma_start3A_55 = arith.constant 0 : i32
        %dma_start3A_56 = tpu.memref_slice %arg2[%dma_start3A_54, %dma_start3A_55] : memref<8192x128xf32, #tpu.memory_space<hbm>> -> memref<8192x128xf32, #tpu.memory_space<hbm>>
        tpu.enqueue_indirect_dma source(%dma_start3A_56 : memref<8192x128xf32, #tpu.memory_space<hbm>>) target(%arg6 : memref<128x128xf32, #tpu.memory_space<vmem>>) offsets(%dma_start3A_53 : memref<128xi32, #tpu.memory_space<vmem>>) semaphore(%arg8 : memref<!tpu.dma_semaphore, #tpu.memory_space<semaphore_mem>>)
      } else {
      }
      %add3A_36 = arith.constant 1 : i32
      %add3A_37 = arith.addi %mul3A_17, %add3A_36 : i32
      %mul3A_38 = arith.constant 128 : i32
      %mul3A_39 = arith.muli %add3A_37, %mul3A_38 : i32
      %dma_wait3A_40 = tpu.memref_slice %arg5[%mul3A_39] : memref<1536xi32, #tpu.memory_space<vmem>> -> memref<128xi32, #tpu.memory_space<vmem>>
      %dma_wait3A_41 = arith.constant 0 : i32
      %dma_wait3A_42 = arith.constant 0 : i32
      %dma_wait3A_43 = tpu.memref_slice %arg2[%dma_wait3A_41, %dma_wait3A_42] : memref<8192x128xf32, #tpu.memory_space<hbm>> -> memref<8192x128xf32, #tpu.memory_space<hbm>>
      tpu.wait_indirect_dma semaphore(%arg9 : memref<!tpu.dma_semaphore, #tpu.memory_space<semaphore_mem>>) src(%dma_wait3A_43 : memref<8192x128xf32, #tpu.memory_space<hbm>>) dst(%arg7 : memref<128x128xf32, #tpu.memory_space<vmem>>)
      %add3A_44 = arith.constant 1 : i32
      %add3A_45 = arith.addi %mul3A_17, %add3A_44 : i32
      %mul3A_46 = arith.constant 128 : i32
      %mul3A_47 = arith.muli %add3A_45, %mul3A_46 : i32
      %add3A_48 = arith.addi %mul3A_2, %mul3A_47 : i32
      "tpu.region"() ({
        %run_scoped3A = tpu.sem_alloc : memref<!tpu.dma_semaphore, #tpu.memory_space<semaphore_mem>>
        %dma_start3A_49 = arith.constant 0 : i32
        %dma_start3A_50 = tpu.memref_slice %arg4[%add3A_48, %dma_start3A_49] : memref<49152x128xf32, #tpu.memory_space<hbm>> -> memref<128x128xf32, #tpu.memory_space<hbm>>
        %dma_start3A_51 = arith.constant 0 : i32
        %dma_start3A_52 = tpu.memref_slice %arg4[%add3A_48, %dma_start3A_51] : memref<49152x128xf32, #tpu.memory_space<hbm>> -> memref<128x128xf32, #tpu.memory_space<hbm>>
        tpu.enqueue_dma source(%arg7 : memref<128x128xf32, #tpu.memory_space<vmem>>) target(%dma_start3A_52 : memref<128x128xf32, #tpu.memory_space<hbm>>) target_semaphore(%run_scoped3A : memref<!tpu.dma_semaphore, #tpu.memory_space<semaphore_mem>>)
        %dma_wait3A_53 = arith.constant 0 : i32
        %dma_wait3A_54 = tpu.memref_slice %arg4[%add3A_48, %dma_wait3A_53] : memref<49152x128xf32, #tpu.memory_space<hbm>> -> memref<128x128xf32, #tpu.memory_space<hbm>>
        %dma_wait3A_55 = arith.constant 0 : i32
        %dma_wait3A_56 = tpu.memref_slice %arg4[%add3A_48, %dma_wait3A_55] : memref<49152x128xf32, #tpu.memory_space<hbm>> -> memref<128x128xf32, #tpu.memory_space<hbm>>
        tpu.wait_dma2 semaphore(%run_scoped3A : memref<!tpu.dma_semaphore, #tpu.memory_space<semaphore_mem>>) src(%arg7 : memref<128x128xf32, #tpu.memory_space<vmem>>) dst(%dma_wait3A_56 : memref<128x128xf32, #tpu.memory_space<hbm>>)
        tpu.yield
      }) : () -> ()
    }
    %scan3A_10 = arith.constant 6 : i32
    return
  }
}

#map = affine_map<(d0, d1) -> (0, 0)>
#map1 = affine_map<(d0, d1) -> (0)>
module attributes {stable_mosaic.version = 14 : i64} {
  func.func @sc_gather(%arg0: i32, %arg1: i32, %arg2: memref<8192x128xf32, #tpu.memory_space<hbm>>, %arg3: memref<49152xi32, #tpu.memory_space<hbm>>, %arg4: memref<49152x128xf32, #tpu.memory_space<hbm>>, %arg5: memref<1536xi32, #tpu.memory_space<vmem>>, %arg6: memref<128x128xf32, #tpu.memory_space<vmem>>, %arg7: memref<128x128xf32, #tpu.memory_space<vmem>>, %arg8: memref<!tpu.dma_semaphore, #tpu.memory_space<semaphore_mem>>, %arg9: memref<!tpu.dma_semaphore, #tpu.memory_space<semaphore_mem>>) attributes {dimension_semantics = [#tpu.dimension_semantics<core_parallel>, #tpu.dimension_semantics<subcore_parallel>], iteration_bounds = array<i64: 2, 16>, scalar_prefetch = 0 : i64, scratch_operands = 5 : i64, tpu.core_type = #tpu.core_type<sc_vector_subcore>, window_params = [{transform_indices = #map}, {transform_indices = #map1}, {transform_indices = #map}]} {
    %mul3A = arith.constant 2 : i32
    %mul3A_0 = arith.muli %arg1, %mul3A : i32
    %add3A = arith.addi %mul3A_0, %arg0 : i32
    %mul3A_1 = arith.constant 1536 : i32
    %mul3A_2 = arith.muli %add3A, %mul3A_1 : i32
    "tpu.region"() ({
      %run_scoped3A = tpu.sem_alloc : memref<!tpu.dma_semaphore, #tpu.memory_space<semaphore_mem>>
      %dma_start3A_11 = tpu.memref_slice %arg3[%mul3A_2] : memref<49152xi32, #tpu.memory_space<hbm>> -> memref<1536xi32, #tpu.memory_space<hbm>>
      %dma_start3A_12 = tpu.memref_slice %arg3[%mul3A_2] : memref<49152xi32, #tpu.memory_space<hbm>> -> memref<1536xi32, #tpu.memory_space<hbm>>
      tpu.enqueue_dma source(%dma_start3A_12 : memref<1536xi32, #tpu.memory_space<hbm>>) target(%arg5 : memref<1536xi32, #tpu.memory_space<vmem>>) target_semaphore(%run_scoped3A : memref<!tpu.dma_semaphore, #tpu.memory_space<semaphore_mem>>)
      %dma_wait3A = tpu.memref_slice %arg3[%mul3A_2] : memref<49152xi32, #tpu.memory_space<hbm>> -> memref<1536xi32, #tpu.memory_space<hbm>>
      %dma_wait3A_13 = tpu.memref_slice %arg3[%mul3A_2] : memref<49152xi32, #tpu.memory_space<hbm>> -> memref<1536xi32, #tpu.memory_space<hbm>>
      tpu.wait_dma2 semaphore(%run_scoped3A : memref<!tpu.dma_semaphore, #tpu.memory_space<semaphore_mem>>) src(%dma_wait3A_13 : memref<1536xi32, #tpu.memory_space<hbm>>) dst(%arg5 : memref<1536xi32, #tpu.memory_space<vmem>>)
      tpu.yield
    }) : () -> ()
    %dma_start3A = arith.constant 0 : i32
    %dma_start3A_3 = tpu.memref_slice %arg5[%dma_start3A] : memref<1536xi32, #tpu.memory_space<vmem>> -> memref<128xi32, #tpu.memory_space<vmem>>
    %dma_start3A_4 = arith.constant 0 : i32
    %dma_start3A_5 = arith.constant 0 : i32
    %dma_start3A_6 = tpu.memref_slice %arg2[%dma_start3A_4, %dma_start3A_5] : memref<8192x128xf32, #tpu.memory_space<hbm>> -> memref<8192x128xf32, #tpu.memory_space<hbm>>
    tpu.enqueue_indirect_dma source(%dma_start3A_6 : memref<8192x128xf32, #tpu.memory_space<hbm>>) target(%arg6 : memref<128x128xf32, #tpu.memory_space<vmem>>) offsets(%dma_start3A_3 : memref<128xi32, #tpu.memory_space<vmem>>) semaphore(%arg8 : memref<!tpu.dma_semaphore, #tpu.memory_space<semaphore_mem>>)
    %scan3A = arith.constant 0 : i32
    %scan3A_7 = arith.constant 6 : i32
    %scan3A_8 = arith.addi %scan3A, %scan3A_7 : i32
    %scan3A_9 = arith.constant 1 : i32
    scf.for %scan3A_11 = %scan3A to %scan3A_8 step %scan3A_9  : i32 {
      %mul3A_12 = arith.constant 1 : i32
      %mul3A_13 = arith.muli %scan3A_11, %mul3A_12 : i32
      %add3A_14 = arith.constant 0 : i32
      %add3A_15 = arith.addi %add3A_14, %mul3A_13 : i32
      %mul3A_16 = arith.constant 2 : i32
      %mul3A_17 = arith.muli %mul3A_16, %add3A_15 : i32
      %add3A_18 = arith.constant 1 : i32
      %add3A_19 = arith.addi %mul3A_17, %add3A_18 : i32
      %mul3A_20 = arith.constant 128 : i32
      %mul3A_21 = arith.muli %add3A_19, %mul3A_20 : i32
      %dma_start3A_22 = tpu.memref_slice %arg5[%mul3A_21] : memref<1536xi32, #tpu.memory_space<vmem>> -> memref<128xi32, #tpu.memory_space<vmem>>
      %dma_start3A_23 = arith.constant 0 : i32
      %dma_start3A_24 = arith.constant 0 : i32
      %dma_start3A_25 = tpu.memref_slice %arg2[%dma_start3A_23, %dma_start3A_24] : memref<8192x128xf32, #tpu.memory_space<hbm>> -> memref<8192x128xf32, #tpu.memory_space<hbm>>
      tpu.enqueue_indirect_dma source(%dma_start3A_25 : memref<8192x128xf32, #tpu.memory_space<hbm>>) target(%arg7 : memref<128x128xf32, #tpu.memory_space<vmem>>) offsets(%dma_start3A_22 : memref<128xi32, #tpu.memory_space<vmem>>) semaphore(%arg9 : memref<!tpu.dma_semaphore, #tpu.memory_space<semaphore_mem>>)
      %mul3A_26 = arith.constant 128 : i32
      %mul3A_27 = arith.muli %mul3A_17, %mul3A_26 : i32
      %dma_wait3A = tpu.memref_slice %arg5[%mul3A_27] : memref<1536xi32, #tpu.memory_space<vmem>> -> memref<128xi32, #tpu.memory_space<vmem>>
      %dma_wait3A_28 = arith.constant 0 : i32
      %dma_wait3A_29 = arith.constant 0 : i32
      %dma_wait3A_30 = tpu.memref_slice %arg2[%dma_wait3A_28, %dma_wait3A_29] : memref<8192x128xf32, #tpu.memory_space<hbm>> -> memref<8192x128xf32, #tpu.memory_space<hbm>>
      tpu.wait_indirect_dma semaphore(%arg8 : memref<!tpu.dma_semaphore, #tpu.memory_space<semaphore_mem>>) src(%dma_wait3A_30 : memref<8192x128xf32, #tpu.memory_space<hbm>>) dst(%arg6 : memref<128x128xf32, #tpu.memory_space<vmem>>)
      %mul3A_31 = arith.constant 128 : i32
      %mul3A_32 = arith.muli %mul3A_17, %mul3A_31 : i32
      %add3A_33 = arith.addi %mul3A_2, %mul3A_32 : i32
      "tpu.region"() ({
        %run_scoped3A = tpu.sem_alloc : memref<!tpu.dma_semaphore, #tpu.memory_space<semaphore_mem>>
        %dma_start3A_49 = arith.constant 0 : i32
        %dma_start3A_50 = tpu.memref_slice %arg4[%add3A_33, %dma_start3A_49] : memref<49152x128xf32, #tpu.memory_space<hbm>> -> memref<128x128xf32, #tpu.memory_space<hbm>>
        %dma_start3A_51 = arith.constant 0 : i32
        %dma_start3A_52 = tpu.memref_slice %arg4[%add3A_33, %dma_start3A_51] : memref<49152x128xf32, #tpu.memory_space<hbm>> -> memref<128x128xf32, #tpu.memory_space<hbm>>
        tpu.enqueue_dma source(%arg6 : memref<128x128xf32, #tpu.memory_space<vmem>>) target(%dma_start3A_52 : memref<128x128xf32, #tpu.memory_space<hbm>>) target_semaphore(%run_scoped3A : memref<!tpu.dma_semaphore, #tpu.memory_space<semaphore_mem>>)
        %dma_wait3A_53 = arith.constant 0 : i32
        %dma_wait3A_54 = tpu.memref_slice %arg4[%add3A_33, %dma_wait3A_53] : memref<49152x128xf32, #tpu.memory_space<hbm>> -> memref<128x128xf32, #tpu.memory_space<hbm>>
        %dma_wait3A_55 = arith.constant 0 : i32
        %dma_wait3A_56 = tpu.memref_slice %arg4[%add3A_33, %dma_wait3A_55] : memref<49152x128xf32, #tpu.memory_space<hbm>> -> memref<128x128xf32, #tpu.memory_space<hbm>>
        tpu.wait_dma2 semaphore(%run_scoped3A : memref<!tpu.dma_semaphore, #tpu.memory_space<semaphore_mem>>) src(%arg6 : memref<128x128xf32, #tpu.memory_space<vmem>>) dst(%dma_wait3A_56 : memref<128x128xf32, #tpu.memory_space<hbm>>)
        tpu.yield
      }) : () -> ()
      %lt3A = arith.constant 5 : i32
      %lt3A_34 = arith.cmpi slt, %add3A_15, %lt3A : i32
      %convert_element_type3A = arith.extui %lt3A_34 : i1 to i32
      %cond3A = arith.constant 0 : i32
      %cond3A_35 = arith.cmpi ne, %convert_element_type3A, %cond3A : i32
      scf.if %cond3A_35 {
        %add3A_49 = arith.constant 2 : i32
        %add3A_50 = arith.addi %mul3A_17, %add3A_49 : i32
        %mul3A_51 = arith.constant 128 : i32
        %mul3A_52 = arith.muli %add3A_50, %mul3A_51 : i32
        %dma_start3A_53 = tpu.memref_slice %arg5[%mul3A_52] : memref<1536xi32, #tpu.memory_space<vmem>> -> memref<128xi32, #tpu.memory_space<vmem>>
        %dma_start3A_54 = arith.constant 0 : i32
        %dma_start3A_55 = arith.constant 0 : i32
        %dma_start3A_56 = tpu.memref_slice %arg2[%dma_start3A_54, %dma_start3A_55] : memref<8192x128xf32, #tpu.memory_space<hbm>> -> memref<8192x128xf32, #tpu.memory_space<hbm>>
        tpu.enqueue_indirect_dma source(%dma_start3A_56 : memref<8192x128xf32, #tpu.memory_space<hbm>>) target(%arg6 : memref<128x128xf32, #tpu.memory_space<vmem>>) offsets(%dma_start3A_53 : memref<128xi32, #tpu.memory_space<vmem>>) semaphore(%arg8 : memref<!tpu.dma_semaphore, #tpu.memory_space<semaphore_mem>>)
      } else {
      }
      %add3A_36 = arith.constant 1 : i32
      %add3A_37 = arith.addi %mul3A_17, %add3A_36 : i32
      %mul3A_38 = arith.constant 128 : i32
      %mul3A_39 = arith.muli %add3A_37, %mul3A_38 : i32
      %dma_wait3A_40 = tpu.memref_slice %arg5[%mul3A_39] : memref<1536xi32, #tpu.memory_space<vmem>> -> memref<128xi32, #tpu.memory_space<vmem>>
      %dma_wait3A_41 = arith.constant 0 : i32
      %dma_wait3A_42 = arith.constant 0 : i32
      %dma_wait3A_43 = tpu.memref_slice %arg2[%dma_wait3A_41, %dma_wait3A_42] : memref<8192x128xf32, #tpu.memory_space<hbm>> -> memref<8192x128xf32, #tpu.memory_space<hbm>>
      tpu.wait_indirect_dma semaphore(%arg9 : memref<!tpu.dma_semaphore, #tpu.memory_space<semaphore_mem>>) src(%dma_wait3A_43 : memref<8192x128xf32, #tpu.memory_space<hbm>>) dst(%arg7 : memref<128x128xf32, #tpu.memory_space<vmem>>)
      %add3A_44 = arith.constant 1 : i32
      %add3A_45 = arith.addi %mul3A_17, %add3A_44 : i32
      %mul3A_46 = arith.constant 128 : i32
      %mul3A_47 = arith.muli %add3A_45, %mul3A_46 : i32
      %add3A_48 = arith.addi %mul3A_2, %mul3A_47 : i32
      "tpu.region"() ({
        %run_scoped3A = tpu.sem_alloc : memref<!tpu.dma_semaphore, #tpu.memory_space<semaphore_mem>>
        %dma_start3A_49 = arith.constant 0 : i32
        %dma_start3A_50 = tpu.memref_slice %arg4[%add3A_48, %dma_start3A_49] : memref<49152x128xf32, #tpu.memory_space<hbm>> -> memref<128x128xf32, #tpu.memory_space<hbm>>
        %dma_start3A_51 = arith.constant 0 : i32
        %dma_start3A_52 = tpu.memref_slice %arg4[%add3A_48, %dma_start3A_51] : memref<49152x128xf32, #tpu.memory_space<hbm>> -> memref<128x128xf32, #tpu.memory_space<hbm>>
        tpu.enqueue_dma source(%arg7 : memref<128x128xf32, #tpu.memory_space<vmem>>) target(%dma_start3A_52 : memref<128x128xf32, #tpu.memory_space<hbm>>) target_semaphore(%run_scoped3A : memref<!tpu.dma_semaphore, #tpu.memory_space<semaphore_mem>>)
        %dma_wait3A_53 = arith.constant 0 : i32
        %dma_wait3A_54 = tpu.memref_slice %arg4[%add3A_48, %dma_wait3A_53] : memref<49152x128xf32, #tpu.memory_space<hbm>> -> memref<128x128xf32, #tpu.memory_space<hbm>>
        %dma_wait3A_55 = arith.constant 0 : i32
        %dma_wait3A_56 = tpu.memref_slice %arg4[%add3A_48, %dma_wait3A_55] : memref<49152x128xf32, #tpu.memory_space<hbm>> -> memref<128x128xf32, #tpu.memory_space<hbm>>
        tpu.wait_dma2 semaphore(%run_scoped3A : memref<!tpu.dma_semaphore, #tpu.memory_space<semaphore_mem>>) src(%arg7 : memref<128x128xf32, #tpu.memory_space<vmem>>) dst(%dma_wait3A_56 : memref<128x128xf32, #tpu.memory_space<hbm>>)
        tpu.yield
      }) : () -> ()
    }
    %scan3A_10 = arith.constant 6 : i32
    return
  }
}

module attributes {stable_mosaic.version = 14 : i64} {
  func.func @_knn_body(%arg0: i32, %arg1: i32, %arg2: memref<1x3x4096xf32, #tpu.memory_space<vmem>>, %arg3: memref<1x1024x3xf32, #tpu.memory_space<vmem>>, %arg4: memref<1x3x4096xi32, #tpu.memory_space<vmem>>, %arg5: memref<1x3x4096xf32, #tpu.memory_space<vmem>>) attributes {dimension_semantics = [#tpu.dimension_semantics<parallel>, #tpu.dimension_semantics<parallel>], iteration_bounds = array<i64: 4, 1>, scalar_prefetch = 0 : i64, scratch_operands = 0 : i64, tpu.core_type = #tpu.core_type<tc>, window_params = [{transform_indices = @transform_0, window_bounds = array<i64: 1, 3, 4096>}, {transform_indices = @transform_1, window_bounds = array<i64: 1, 1024, 3>}, {transform_indices = @transform_2, window_bounds = array<i64: 1, 3, 4096>}, {transform_indices = @transform_3, window_bounds = array<i64: 1, 3, 4096>}]} {
    %get3A = arith.constant 0 : index
    %get3A_0 = arith.constant 0 : index
    %get3A_1 = arith.constant 0 : index
    %get3A_2 = vector.load %arg2[%get3A, %get3A_0, %get3A_1] : memref<1x3x4096xf32, #tpu.memory_space<vmem>>, vector<1x3x4096xf32>
    %get3A_3 = vector.shape_cast %get3A_2 : vector<1x3x4096xf32> to vector<3x4096xf32>
    %get3A_4 = arith.constant 0 : index
    %get3A_5 = arith.constant 0 : index
    %get3A_6 = arith.constant 0 : index
    %get3A_7 = vector.load %arg3[%get3A_4, %get3A_5, %get3A_6] : memref<1x1024x3xf32, #tpu.memory_space<vmem>>, vector<1x1024x3xf32>
    %get3A_8 = vector.shape_cast %get3A_7 : vector<1x1024x3xf32> to vector<1024x3xf32>
    %mul3A = arith.mulf %get3A_3, %get3A_3 : vector<3x4096xf32>
    %reduce_sum3A = arith.constant dense<0.000000e+00> : vector<4096xf32>
    %reduce_sum3A_9 = vector.multi_reduction <add>, %mul3A, %reduce_sum3A [0] : vector<3x4096xf32> to vector<4096xf32>
    %broadcast_in_dim3A = vector.shape_cast %reduce_sum3A_9 : vector<4096xf32> to vector<1x4096xf32>
    %mul3A_10 = arith.mulf %get3A_8, %get3A_8 : vector<1024x3xf32>
    %reduce_sum3A_11 = arith.constant dense<0.000000e+00> : vector<1024xf32>
    %reduce_sum3A_12 = vector.multi_reduction <add>, %mul3A_10, %reduce_sum3A_11 [1] : vector<1024x3xf32> to vector<1024xf32>
    %broadcast_in_dim3A_13 = vector.shape_cast %reduce_sum3A_12 : vector<1024xf32> to vector<1024x1xf32>
    %dot_general3A = arith.constant dense<0.000000e+00> : vector<1024x4096xf32>
    %dot_general3A_14 = tpu.matmul %get3A_8, %get3A_3, %dot_general3A {dimension_numbers = #tpu.dot_dimension_numbers<[1], [0], [0], [1], [0, 0, 1, 1], [], []>, transpose_lhs_hint = false} : vector<1024x3xf32>, vector<3x4096xf32>, vector<1024x4096xf32> -> vector<1024x4096xf32>
    %mul3A_15 = arith.constant -2.000000e+00 : f32
    %mul3A_16 = vector.broadcast %mul3A_15 : f32 to vector<1024x4096xf32>
    %mul3A_17 = arith.mulf %mul3A_16, %dot_general3A_14 : vector<1024x4096xf32>
    %add3A = vector.broadcast %broadcast_in_dim3A : vector<1x4096xf32> to vector<1024x4096xf32>
    %add3A_18 = arith.addf %mul3A_17, %add3A : vector<1024x4096xf32>
    %add3A_19 = vector.broadcast %broadcast_in_dim3A_13 : vector<1024x1xf32> to vector<1024x4096xf32>
    %add3A_20 = arith.addf %add3A_18, %add3A_19 : vector<1024x4096xf32>
    %iota3A = tpu.iota {dimensions = array<i32: 0>} : vector<1024x4096xi32>
    %reduce_min3A = arith.constant dense<0x7F800000> : vector<4096xf32>
    %reduce_min3A_21 = vector.multi_reduction <minimumf>, %add3A_20, %reduce_min3A [0] : vector<1024x4096xf32> to vector<4096xf32>
    %broadcast_in_dim3A_22 = vector.shape_cast %reduce_min3A_21 : vector<4096xf32> to vector<1x4096xf32>
    %eq3A = vector.broadcast %broadcast_in_dim3A_22 : vector<1x4096xf32> to vector<1024x4096xf32>
    %eq3A_23 = arith.cmpf oeq, %add3A_20, %eq3A : vector<1024x4096xf32>
    %jit3A = arith.constant 1024 : i32
    %broadcast_in_dim3A_24 = vector.broadcast %jit3A : i32 to vector<1024x4096xi32>
    %select_n3A = arith.select %eq3A_23, %iota3A, %broadcast_in_dim3A_24 : vector<1024x4096xi1>, vector<1024x4096xi32>
    %reduce_min3A_25 = arith.constant dense<2147483647> : vector<4096xi32>
    %reduce_min3A_26 = vector.multi_reduction <minsi>, %select_n3A, %reduce_min3A_25 [0] : vector<1024x4096xi32> to vector<4096xi32>
    %broadcast_in_dim3A_27 = vector.shape_cast %reduce_min3A_26 : vector<4096xi32> to vector<1x4096xi32>
    %eq3A_28 = vector.broadcast %broadcast_in_dim3A_27 : vector<1x4096xi32> to vector<1024x4096xi32>
    %eq3A_29 = arith.cmpi eq, %iota3A, %eq3A_28 : vector<1024x4096xi32>
    %jit3A_30 = arith.constant 0x7F800000 : f32
    %broadcast_in_dim3A_31 = vector.broadcast %jit3A_30 : f32 to vector<1024x4096xf32>
    %select_n3A_32 = arith.select %eq3A_29, %broadcast_in_dim3A_31, %add3A_20 : vector<1024x4096xi1>, vector<1024x4096xf32>
    %reduce_min3A_33 = arith.constant dense<0x7F800000> : vector<4096xf32>
    %reduce_min3A_34 = vector.multi_reduction <minimumf>, %select_n3A_32, %reduce_min3A_33 [0] : vector<1024x4096xf32> to vector<4096xf32>
    %broadcast_in_dim3A_35 = vector.shape_cast %reduce_min3A_34 : vector<4096xf32> to vector<1x4096xf32>
    %eq3A_36 = vector.broadcast %broadcast_in_dim3A_35 : vector<1x4096xf32> to vector<1024x4096xf32>
    %eq3A_37 = arith.cmpf oeq, %select_n3A_32, %eq3A_36 : vector<1024x4096xf32>
    %jit3A_38 = arith.constant 1024 : i32
    %broadcast_in_dim3A_39 = vector.broadcast %jit3A_38 : i32 to vector<1024x4096xi32>
    %select_n3A_40 = arith.select %eq3A_37, %iota3A, %broadcast_in_dim3A_39 : vector<1024x4096xi1>, vector<1024x4096xi32>
    %reduce_min3A_41 = arith.constant dense<2147483647> : vector<4096xi32>
    %reduce_min3A_42 = vector.multi_reduction <minsi>, %select_n3A_40, %reduce_min3A_41 [0] : vector<1024x4096xi32> to vector<4096xi32>
    %broadcast_in_dim3A_43 = vector.shape_cast %reduce_min3A_42 : vector<4096xi32> to vector<1x4096xi32>
    %eq3A_44 = vector.broadcast %broadcast_in_dim3A_43 : vector<1x4096xi32> to vector<1024x4096xi32>
    %eq3A_45 = arith.cmpi eq, %iota3A, %eq3A_44 : vector<1024x4096xi32>
    %jit3A_46 = arith.constant 0x7F800000 : f32
    %broadcast_in_dim3A_47 = vector.broadcast %jit3A_46 : f32 to vector<1024x4096xf32>
    %select_n3A_48 = arith.select %eq3A_45, %broadcast_in_dim3A_47, %select_n3A_32 : vector<1024x4096xi1>, vector<1024x4096xf32>
    %reduce_min3A_49 = arith.constant dense<0x7F800000> : vector<4096xf32>
    %reduce_min3A_50 = vector.multi_reduction <minimumf>, %select_n3A_48, %reduce_min3A_49 [0] : vector<1024x4096xf32> to vector<4096xf32>
    %broadcast_in_dim3A_51 = vector.shape_cast %reduce_min3A_50 : vector<4096xf32> to vector<1x4096xf32>
    %eq3A_52 = vector.broadcast %broadcast_in_dim3A_51 : vector<1x4096xf32> to vector<1024x4096xf32>
    %eq3A_53 = arith.cmpf oeq, %select_n3A_48, %eq3A_52 : vector<1024x4096xf32>
    %jit3A_54 = arith.constant 1024 : i32
    %broadcast_in_dim3A_55 = vector.broadcast %jit3A_54 : i32 to vector<1024x4096xi32>
    %select_n3A_56 = arith.select %eq3A_53, %iota3A, %broadcast_in_dim3A_55 : vector<1024x4096xi1>, vector<1024x4096xi32>
    %reduce_min3A_57 = arith.constant dense<2147483647> : vector<4096xi32>
    %reduce_min3A_58 = vector.multi_reduction <minsi>, %select_n3A_56, %reduce_min3A_57 [0] : vector<1024x4096xi32> to vector<4096xi32>
    %broadcast_in_dim3A_59 = vector.shape_cast %reduce_min3A_58 : vector<4096xi32> to vector<1x4096xi32>
    %add3A_60 = arith.constant 9.99999993E-9 : f32
    %add3A_61 = vector.broadcast %add3A_60 : f32 to vector<1x4096xf32>
    %add3A_62 = arith.addf %broadcast_in_dim3A_22, %add3A_61 : vector<1x4096xf32>
    %div3A = arith.constant 1.000000e+00 : f32
    %div3A_63 = vector.broadcast %div3A : f32 to vector<1x4096xf32>
    %div3A_64 = arith.divf %div3A_63, %add3A_62 : vector<1x4096xf32>
    %add3A_65 = arith.constant 9.99999993E-9 : f32
    %add3A_66 = vector.broadcast %add3A_65 : f32 to vector<1x4096xf32>
    %add3A_67 = arith.addf %broadcast_in_dim3A_35, %add3A_66 : vector<1x4096xf32>
    %div3A_68 = arith.constant 1.000000e+00 : f32
    %div3A_69 = vector.broadcast %div3A_68 : f32 to vector<1x4096xf32>
    %div3A_70 = arith.divf %div3A_69, %add3A_67 : vector<1x4096xf32>
    %add3A_71 = arith.constant 9.99999993E-9 : f32
    %add3A_72 = vector.broadcast %add3A_71 : f32 to vector<1x4096xf32>
    %add3A_73 = arith.addf %broadcast_in_dim3A_51, %add3A_72 : vector<1x4096xf32>
    %div3A_74 = arith.constant 1.000000e+00 : f32
    %div3A_75 = vector.broadcast %div3A_74 : f32 to vector<1x4096xf32>
    %div3A_76 = arith.divf %div3A_75, %add3A_73 : vector<1x4096xf32>
    %add3A_77 = arith.addf %div3A_64, %div3A_70 : vector<1x4096xf32>
    %add3A_78 = arith.addf %add3A_77, %div3A_76 : vector<1x4096xf32>
    %add3A_79 = arith.constant 4 : i32
    %add3A_80 = arith.addi %arg0, %add3A_79 : i32
    %mul3A_81 = arith.constant 1024 : i32
    %mul3A_82 = arith.muli %add3A_80, %mul3A_81 : i32
    %add3A_83 = vector.broadcast %mul3A_82 : i32 to vector<1x4096xi32>
    %add3A_84 = arith.addi %broadcast_in_dim3A_27, %add3A_83 : vector<1x4096xi32>
    %add3A_85 = vector.broadcast %mul3A_82 : i32 to vector<1x4096xi32>
    %add3A_86 = arith.addi %broadcast_in_dim3A_43, %add3A_85 : vector<1x4096xi32>
    %add3A_87 = vector.broadcast %mul3A_82 : i32 to vector<1x4096xi32>
    %add3A_88 = arith.addi %broadcast_in_dim3A_59, %add3A_87 : vector<1x4096xi32>
    %concatenate3A = tpu.concatenate %add3A_84, %add3A_86, %add3A_88 in 0 : vector<1x4096xi32>, vector<1x4096xi32>, vector<1x4096xi32> -> vector<3x4096xi32>
    %swap3A = arith.constant 0 : index
    %swap3A_89 = arith.constant 0 : index
    %swap3A_90 = arith.constant 0 : index
    %swap3A_91 = vector.load %arg4[%swap3A, %swap3A_89, %swap3A_90] : memref<1x3x4096xi32, #tpu.memory_space<vmem>>, vector<1x3x4096xi32>
    %swap3A_92 = vector.shape_cast %swap3A_91 : vector<1x3x4096xi32> to vector<3x4096xi32>
    %swap3A_93 = vector.shape_cast %concatenate3A : vector<3x4096xi32> to vector<1x3x4096xi32>
    tpu.vector_store %arg4[%swap3A, %swap3A_89, %swap3A_90], %swap3A_93 {strides = array<i32>} : memref<1x3x4096xi32, #tpu.memory_space<vmem>>, vector<1x3x4096xi32>,
    %div3A_94 = arith.divf %div3A_64, %add3A_78 : vector<1x4096xf32>
    %div3A_95 = arith.divf %div3A_70, %add3A_78 : vector<1x4096xf32>
    %div3A_96 = arith.divf %div3A_76, %add3A_78 : vector<1x4096xf32>
    %concatenate3A_97 = tpu.concatenate %div3A_94, %div3A_95, %div3A_96 in 0 : vector<1x4096xf32>, vector<1x4096xf32>, vector<1x4096xf32> -> vector<3x4096xf32>
    %swap3A_98 = arith.constant 0 : index
    %swap3A_99 = arith.constant 0 : index
    %swap3A_100 = arith.constant 0 : index
    %swap3A_101 = vector.load %arg5[%swap3A_98, %swap3A_99, %swap3A_100] : memref<1x3x4096xf32, #tpu.memory_space<vmem>>, vector<1x3x4096xf32>
    %swap3A_102 = vector.shape_cast %swap3A_101 : vector<1x3x4096xf32> to vector<3x4096xf32>
    %swap3A_103 = vector.shape_cast %concatenate3A_97 : vector<3x4096xf32> to vector<1x3x4096xf32>
    tpu.vector_store %arg5[%swap3A_98, %swap3A_99, %swap3A_100], %swap3A_103 {strides = array<i32>} : memref<1x3x4096xf32, #tpu.memory_space<vmem>>, vector<1x3x4096xf32>,
    return
  }
  func.func @transform_0(%arg0: i32, %arg1: i32) -> (i32, i32, i32) {
    %c0_i32 = arith.constant 0 : i32
    %c0_i32_0 = arith.constant 0 : i32
    return %arg0, %c0_i32, %arg1 : i32, i32, i32
  }
  func.func @transform_1(%arg0: i32, %arg1: i32) -> (i32, i32, i32) {
    %c0_i32 = arith.constant 0 : i32
    %c0_i32_0 = arith.constant 0 : i32
    %c0_i32_1 = arith.constant 0 : i32
    return %arg0, %c0_i32, %c0_i32_0 : i32, i32, i32
  }
  func.func @transform_2(%arg0: i32, %arg1: i32) -> (i32, i32, i32) {
    %c0_i32 = arith.constant 0 : i32
    %c0_i32_0 = arith.constant 0 : i32
    return %arg0, %c0_i32, %arg1 : i32, i32, i32
  }
  func.func @transform_3(%arg0: i32, %arg1: i32) -> (i32, i32, i32) {
    %c0_i32 = arith.constant 0 : i32
    %c0_i32_0 = arith.constant 0 : i32
    return %arg0, %c0_i32, %arg1 : i32, i32, i32
  }
}

module attributes {stable_mosaic.version = 14 : i64} {
  func.func @_knn_body(%arg0: i32, %arg1: i32, %arg2: memref<1x3x4096xf32, #tpu.memory_space<vmem>>, %arg3: memref<1x1024x3xf32, #tpu.memory_space<vmem>>, %arg4: memref<1x3x4096xi32, #tpu.memory_space<vmem>>, %arg5: memref<1x3x4096xf32, #tpu.memory_space<vmem>>) attributes {dimension_semantics = [#tpu.dimension_semantics<parallel>, #tpu.dimension_semantics<parallel>], iteration_bounds = array<i64: 4, 1>, scalar_prefetch = 0 : i64, scratch_operands = 0 : i64, tpu.core_type = #tpu.core_type<tc>, window_params = [{transform_indices = @transform_0, window_bounds = array<i64: 1, 3, 4096>}, {transform_indices = @transform_1, window_bounds = array<i64: 1, 1024, 3>}, {transform_indices = @transform_2, window_bounds = array<i64: 1, 3, 4096>}, {transform_indices = @transform_3, window_bounds = array<i64: 1, 3, 4096>}]} {
    %get3A = arith.constant 0 : index
    %get3A_0 = arith.constant 0 : index
    %get3A_1 = arith.constant 0 : index
    %get3A_2 = vector.load %arg2[%get3A, %get3A_0, %get3A_1] : memref<1x3x4096xf32, #tpu.memory_space<vmem>>, vector<1x3x4096xf32>
    %get3A_3 = vector.shape_cast %get3A_2 : vector<1x3x4096xf32> to vector<3x4096xf32>
    %get3A_4 = arith.constant 0 : index
    %get3A_5 = arith.constant 0 : index
    %get3A_6 = arith.constant 0 : index
    %get3A_7 = vector.load %arg3[%get3A_4, %get3A_5, %get3A_6] : memref<1x1024x3xf32, #tpu.memory_space<vmem>>, vector<1x1024x3xf32>
    %get3A_8 = vector.shape_cast %get3A_7 : vector<1x1024x3xf32> to vector<1024x3xf32>
    %mul3A = arith.mulf %get3A_3, %get3A_3 : vector<3x4096xf32>
    %reduce_sum3A = arith.constant dense<0.000000e+00> : vector<4096xf32>
    %reduce_sum3A_9 = vector.multi_reduction <add>, %mul3A, %reduce_sum3A [0] : vector<3x4096xf32> to vector<4096xf32>
    %broadcast_in_dim3A = vector.shape_cast %reduce_sum3A_9 : vector<4096xf32> to vector<1x4096xf32>
    %mul3A_10 = arith.mulf %get3A_8, %get3A_8 : vector<1024x3xf32>
    %reduce_sum3A_11 = arith.constant dense<0.000000e+00> : vector<1024xf32>
    %reduce_sum3A_12 = vector.multi_reduction <add>, %mul3A_10, %reduce_sum3A_11 [1] : vector<1024x3xf32> to vector<1024xf32>
    %broadcast_in_dim3A_13 = vector.shape_cast %reduce_sum3A_12 : vector<1024xf32> to vector<1024x1xf32>
    %dot_general3A = arith.constant dense<0.000000e+00> : vector<1024x4096xf32>
    %dot_general3A_14 = tpu.matmul %get3A_8, %get3A_3, %dot_general3A {dimension_numbers = #tpu.dot_dimension_numbers<[1], [0], [0], [1], [0, 0, 1, 1], [], []>, transpose_lhs_hint = false} : vector<1024x3xf32>, vector<3x4096xf32>, vector<1024x4096xf32> -> vector<1024x4096xf32>
    %mul3A_15 = arith.constant -2.000000e+00 : f32
    %mul3A_16 = vector.broadcast %mul3A_15 : f32 to vector<1024x4096xf32>
    %mul3A_17 = arith.mulf %mul3A_16, %dot_general3A_14 : vector<1024x4096xf32>
    %add3A = vector.broadcast %broadcast_in_dim3A : vector<1x4096xf32> to vector<1024x4096xf32>
    %add3A_18 = arith.addf %mul3A_17, %add3A : vector<1024x4096xf32>
    %add3A_19 = vector.broadcast %broadcast_in_dim3A_13 : vector<1024x1xf32> to vector<1024x4096xf32>
    %add3A_20 = arith.addf %add3A_18, %add3A_19 : vector<1024x4096xf32>
    %iota3A = tpu.iota {dimensions = array<i32: 0>} : vector<1024x4096xi32>
    %reduce_min3A = arith.constant dense<0x7F800000> : vector<4096xf32>
    %reduce_min3A_21 = vector.multi_reduction <minimumf>, %add3A_20, %reduce_min3A [0] : vector<1024x4096xf32> to vector<4096xf32>
    %broadcast_in_dim3A_22 = vector.shape_cast %reduce_min3A_21 : vector<4096xf32> to vector<1x4096xf32>
    %eq3A = vector.broadcast %broadcast_in_dim3A_22 : vector<1x4096xf32> to vector<1024x4096xf32>
    %eq3A_23 = arith.cmpf oeq, %add3A_20, %eq3A : vector<1024x4096xf32>
    %jit3A = arith.constant 1024 : i32
    %broadcast_in_dim3A_24 = vector.broadcast %jit3A : i32 to vector<1024x4096xi32>
    %select_n3A = arith.select %eq3A_23, %iota3A, %broadcast_in_dim3A_24 : vector<1024x4096xi1>, vector<1024x4096xi32>
    %reduce_min3A_25 = arith.constant dense<2147483647> : vector<4096xi32>
    %reduce_min3A_26 = vector.multi_reduction <minsi>, %select_n3A, %reduce_min3A_25 [0] : vector<1024x4096xi32> to vector<4096xi32>
    %broadcast_in_dim3A_27 = vector.shape_cast %reduce_min3A_26 : vector<4096xi32> to vector<1x4096xi32>
    %eq3A_28 = vector.broadcast %broadcast_in_dim3A_27 : vector<1x4096xi32> to vector<1024x4096xi32>
    %eq3A_29 = arith.cmpi eq, %iota3A, %eq3A_28 : vector<1024x4096xi32>
    %jit3A_30 = arith.constant 0x7F800000 : f32
    %broadcast_in_dim3A_31 = vector.broadcast %jit3A_30 : f32 to vector<1024x4096xf32>
    %select_n3A_32 = arith.select %eq3A_29, %broadcast_in_dim3A_31, %add3A_20 : vector<1024x4096xi1>, vector<1024x4096xf32>
    %reduce_min3A_33 = arith.constant dense<0x7F800000> : vector<4096xf32>
    %reduce_min3A_34 = vector.multi_reduction <minimumf>, %select_n3A_32, %reduce_min3A_33 [0] : vector<1024x4096xf32> to vector<4096xf32>
    %broadcast_in_dim3A_35 = vector.shape_cast %reduce_min3A_34 : vector<4096xf32> to vector<1x4096xf32>
    %eq3A_36 = vector.broadcast %broadcast_in_dim3A_35 : vector<1x4096xf32> to vector<1024x4096xf32>
    %eq3A_37 = arith.cmpf oeq, %select_n3A_32, %eq3A_36 : vector<1024x4096xf32>
    %jit3A_38 = arith.constant 1024 : i32
    %broadcast_in_dim3A_39 = vector.broadcast %jit3A_38 : i32 to vector<1024x4096xi32>
    %select_n3A_40 = arith.select %eq3A_37, %iota3A, %broadcast_in_dim3A_39 : vector<1024x4096xi1>, vector<1024x4096xi32>
    %reduce_min3A_41 = arith.constant dense<2147483647> : vector<4096xi32>
    %reduce_min3A_42 = vector.multi_reduction <minsi>, %select_n3A_40, %reduce_min3A_41 [0] : vector<1024x4096xi32> to vector<4096xi32>
    %broadcast_in_dim3A_43 = vector.shape_cast %reduce_min3A_42 : vector<4096xi32> to vector<1x4096xi32>
    %eq3A_44 = vector.broadcast %broadcast_in_dim3A_43 : vector<1x4096xi32> to vector<1024x4096xi32>
    %eq3A_45 = arith.cmpi eq, %iota3A, %eq3A_44 : vector<1024x4096xi32>
    %jit3A_46 = arith.constant 0x7F800000 : f32
    %broadcast_in_dim3A_47 = vector.broadcast %jit3A_46 : f32 to vector<1024x4096xf32>
    %select_n3A_48 = arith.select %eq3A_45, %broadcast_in_dim3A_47, %select_n3A_32 : vector<1024x4096xi1>, vector<1024x4096xf32>
    %reduce_min3A_49 = arith.constant dense<0x7F800000> : vector<4096xf32>
    %reduce_min3A_50 = vector.multi_reduction <minimumf>, %select_n3A_48, %reduce_min3A_49 [0] : vector<1024x4096xf32> to vector<4096xf32>
    %broadcast_in_dim3A_51 = vector.shape_cast %reduce_min3A_50 : vector<4096xf32> to vector<1x4096xf32>
    %eq3A_52 = vector.broadcast %broadcast_in_dim3A_51 : vector<1x4096xf32> to vector<1024x4096xf32>
    %eq3A_53 = arith.cmpf oeq, %select_n3A_48, %eq3A_52 : vector<1024x4096xf32>
    %jit3A_54 = arith.constant 1024 : i32
    %broadcast_in_dim3A_55 = vector.broadcast %jit3A_54 : i32 to vector<1024x4096xi32>
    %select_n3A_56 = arith.select %eq3A_53, %iota3A, %broadcast_in_dim3A_55 : vector<1024x4096xi1>, vector<1024x4096xi32>
    %reduce_min3A_57 = arith.constant dense<2147483647> : vector<4096xi32>
    %reduce_min3A_58 = vector.multi_reduction <minsi>, %select_n3A_56, %reduce_min3A_57 [0] : vector<1024x4096xi32> to vector<4096xi32>
    %broadcast_in_dim3A_59 = vector.shape_cast %reduce_min3A_58 : vector<4096xi32> to vector<1x4096xi32>
    %add3A_60 = arith.constant 9.99999993E-9 : f32
    %add3A_61 = vector.broadcast %add3A_60 : f32 to vector<1x4096xf32>
    %add3A_62 = arith.addf %broadcast_in_dim3A_22, %add3A_61 : vector<1x4096xf32>
    %div3A = arith.constant 1.000000e+00 : f32
    %div3A_63 = vector.broadcast %div3A : f32 to vector<1x4096xf32>
    %div3A_64 = arith.divf %div3A_63, %add3A_62 : vector<1x4096xf32>
    %add3A_65 = arith.constant 9.99999993E-9 : f32
    %add3A_66 = vector.broadcast %add3A_65 : f32 to vector<1x4096xf32>
    %add3A_67 = arith.addf %broadcast_in_dim3A_35, %add3A_66 : vector<1x4096xf32>
    %div3A_68 = arith.constant 1.000000e+00 : f32
    %div3A_69 = vector.broadcast %div3A_68 : f32 to vector<1x4096xf32>
    %div3A_70 = arith.divf %div3A_69, %add3A_67 : vector<1x4096xf32>
    %add3A_71 = arith.constant 9.99999993E-9 : f32
    %add3A_72 = vector.broadcast %add3A_71 : f32 to vector<1x4096xf32>
    %add3A_73 = arith.addf %broadcast_in_dim3A_51, %add3A_72 : vector<1x4096xf32>
    %div3A_74 = arith.constant 1.000000e+00 : f32
    %div3A_75 = vector.broadcast %div3A_74 : f32 to vector<1x4096xf32>
    %div3A_76 = arith.divf %div3A_75, %add3A_73 : vector<1x4096xf32>
    %add3A_77 = arith.addf %div3A_64, %div3A_70 : vector<1x4096xf32>
    %add3A_78 = arith.addf %add3A_77, %div3A_76 : vector<1x4096xf32>
    %add3A_79 = arith.constant 0 : i32
    %add3A_80 = arith.addi %arg0, %add3A_79 : i32
    %mul3A_81 = arith.constant 1024 : i32
    %mul3A_82 = arith.muli %add3A_80, %mul3A_81 : i32
    %add3A_83 = vector.broadcast %mul3A_82 : i32 to vector<1x4096xi32>
    %add3A_84 = arith.addi %broadcast_in_dim3A_27, %add3A_83 : vector<1x4096xi32>
    %add3A_85 = vector.broadcast %mul3A_82 : i32 to vector<1x4096xi32>
    %add3A_86 = arith.addi %broadcast_in_dim3A_43, %add3A_85 : vector<1x4096xi32>
    %add3A_87 = vector.broadcast %mul3A_82 : i32 to vector<1x4096xi32>
    %add3A_88 = arith.addi %broadcast_in_dim3A_59, %add3A_87 : vector<1x4096xi32>
    %concatenate3A = tpu.concatenate %add3A_84, %add3A_86, %add3A_88 in 0 : vector<1x4096xi32>, vector<1x4096xi32>, vector<1x4096xi32> -> vector<3x4096xi32>
    %swap3A = arith.constant 0 : index
    %swap3A_89 = arith.constant 0 : index
    %swap3A_90 = arith.constant 0 : index
    %swap3A_91 = vector.load %arg4[%swap3A, %swap3A_89, %swap3A_90] : memref<1x3x4096xi32, #tpu.memory_space<vmem>>, vector<1x3x4096xi32>
    %swap3A_92 = vector.shape_cast %swap3A_91 : vector<1x3x4096xi32> to vector<3x4096xi32>
    %swap3A_93 = vector.shape_cast %concatenate3A : vector<3x4096xi32> to vector<1x3x4096xi32>
    tpu.vector_store %arg4[%swap3A, %swap3A_89, %swap3A_90], %swap3A_93 {strides = array<i32>} : memref<1x3x4096xi32, #tpu.memory_space<vmem>>, vector<1x3x4096xi32>,
    %div3A_94 = arith.divf %div3A_64, %add3A_78 : vector<1x4096xf32>
    %div3A_95 = arith.divf %div3A_70, %add3A_78 : vector<1x4096xf32>
    %div3A_96 = arith.divf %div3A_76, %add3A_78 : vector<1x4096xf32>
    %concatenate3A_97 = tpu.concatenate %div3A_94, %div3A_95, %div3A_96 in 0 : vector<1x4096xf32>, vector<1x4096xf32>, vector<1x4096xf32> -> vector<3x4096xf32>
    %swap3A_98 = arith.constant 0 : index
    %swap3A_99 = arith.constant 0 : index
    %swap3A_100 = arith.constant 0 : index
    %swap3A_101 = vector.load %arg5[%swap3A_98, %swap3A_99, %swap3A_100] : memref<1x3x4096xf32, #tpu.memory_space<vmem>>, vector<1x3x4096xf32>
    %swap3A_102 = vector.shape_cast %swap3A_101 : vector<1x3x4096xf32> to vector<3x4096xf32>
    %swap3A_103 = vector.shape_cast %concatenate3A_97 : vector<3x4096xf32> to vector<1x3x4096xf32>
    tpu.vector_store %arg5[%swap3A_98, %swap3A_99, %swap3A_100], %swap3A_103 {strides = array<i32>} : memref<1x3x4096xf32, #tpu.memory_space<vmem>>, vector<1x3x4096xf32>,
    return
  }
  func.func @transform_0(%arg0: i32, %arg1: i32) -> (i32, i32, i32) {
    %c0_i32 = arith.constant 0 : i32
    %c0_i32_0 = arith.constant 0 : i32
    return %arg0, %c0_i32, %arg1 : i32, i32, i32
  }
  func.func @transform_1(%arg0: i32, %arg1: i32) -> (i32, i32, i32) {
    %c0_i32 = arith.constant 0 : i32
    %c0_i32_0 = arith.constant 0 : i32
    %c0_i32_1 = arith.constant 0 : i32
    return %arg0, %c0_i32, %c0_i32_0 : i32, i32, i32
  }
  func.func @transform_2(%arg0: i32, %arg1: i32) -> (i32, i32, i32) {
    %c0_i32 = arith.constant 0 : i32
    %c0_i32_0 = arith.constant 0 : i32
    return %arg0, %c0_i32, %arg1 : i32, i32, i32
  }
  func.func @transform_3(%arg0: i32, %arg1: i32) -> (i32, i32, i32) {
    %c0_i32 = arith.constant 0 : i32
    %c0_i32_0 = arith.constant 0 : i32
    return %arg0, %c0_i32, %arg1 : i32, i32, i32
  }
}

module attributes {stable_mosaic.version = 14 : i64} {
  func.func @_mlp0_body(%arg0: i32, %arg1: i32, %arg2: memref<1x3x4096x128xf32, #tpu.memory_space<vmem>>, %arg3: memref<1x3x4096xf32, #tpu.memory_space<vmem>>, %arg4: memref<1x64x4096xf32, #tpu.memory_space<vmem>>, %arg5: memref<64x128xf32, #tpu.memory_space<vmem>>, %arg6: memref<128x128xf32, #tpu.memory_space<vmem>>, %arg7: memref<1x128xf32, #tpu.memory_space<vmem>>, %arg8: memref<1x4096x128xbf16, #tpu.memory_space<vmem>>, %arg9: memref<1x1x1x128xf32, #tpu.memory_space<vmem>>, %arg10: memref<1x1x1x128xf32, #tpu.memory_space<vmem>>) attributes {dimension_semantics = [#tpu.dimension_semantics<parallel>, #tpu.dimension_semantics<parallel>], iteration_bounds = array<i64: 4, 1>, scalar_prefetch = 0 : i64, scratch_operands = 0 : i64, tpu.core_type = #tpu.core_type<tc>, window_params = [{transform_indices = @transform_0, window_bounds = array<i64: 1, 3, 4096, 128>}, {transform_indices = @transform_1, window_bounds = array<i64: 1, 3, 4096>}, {transform_indices = @transform_2, window_bounds = array<i64: 1, 64, 4096>}, {pipeline_mode = #tpu.pipeline_mode<synchronous>, transform_indices = @transform_3, window_bounds = array<i64: 64, 128>}, {pipeline_mode = #tpu.pipeline_mode<synchronous>, transform_indices = @transform_4, window_bounds = array<i64: 128, 128>}, {pipeline_mode = #tpu.pipeline_mode<synchronous>, transform_indices = @transform_5, window_bounds = array<i64: 1, 128>}, {transform_indices = @transform_6, window_bounds = array<i64: 1, 4096, 128>}, {transform_indices = @transform_7, window_bounds = array<i64: 1, 1, 1, 128>}, {transform_indices = @transform_8, window_bounds = array<i64: 1, 1, 1, 128>}]} {
    %get3A = arith.constant 0 : index
    %get3A_0 = arith.constant 0 : index
    %get3A_1 = arith.constant 0 : index
    %get3A_2 = arith.constant 0 : index
    %get3A_3 = vector.load %arg2[%get3A, %get3A_0, %get3A_1, %get3A_2] : memref<1x3x4096x128xf32, #tpu.memory_space<vmem>>, vector<1x3x4096x128xf32>
    %get3A_4 = vector.shape_cast %get3A_3 : vector<1x3x4096x128xf32> to vector<3x4096x128xf32>
    %get3A_5 = arith.constant 0 : index
    %get3A_6 = arith.constant 0 : index
    %get3A_7 = arith.constant 0 : index
    %get3A_8 = vector.load %arg3[%get3A_5, %get3A_6, %get3A_7] : memref<1x3x4096xf32, #tpu.memory_space<vmem>>, vector<1x3x4096xf32>
    %get3A_9 = vector.shape_cast %get3A_8 : vector<1x3x4096xf32> to vector<3x4096xf32>
    %slice3A = vector.extract_strided_slice %get3A_4 {offsets = [0, 0, 0], sizes = [1, 4096, 128], strides = [1, 1, 1]} : vector<3x4096x128xf32> to vector<1x4096x128xf32>
    %squeeze3A = vector.shape_cast %slice3A : vector<1x4096x128xf32> to vector<4096x128xf32>
    %slice3A_10 = vector.extract_strided_slice %get3A_9 {offsets = [0, 0], sizes = [1, 4096], strides = [1, 1]} : vector<3x4096xf32> to vector<1x4096xf32>
    %squeeze3A_11 = vector.shape_cast %slice3A_10 : vector<1x4096xf32> to vector<4096xf32>
    %reshape3A = vector.shape_cast %squeeze3A_11 : vector<4096xf32> to vector<4096x1xf32>
    %mul3A = vector.broadcast %reshape3A : vector<4096x1xf32> to vector<4096x128xf32>
    %mul3A_12 = arith.mulf %squeeze3A, %mul3A : vector<4096x128xf32>
    %slice3A_13 = vector.extract_strided_slice %get3A_4 {offsets = [1, 0, 0], sizes = [1, 4096, 128], strides = [1, 1, 1]} : vector<3x4096x128xf32> to vector<1x4096x128xf32>
    %squeeze3A_14 = vector.shape_cast %slice3A_13 : vector<1x4096x128xf32> to vector<4096x128xf32>
    %slice3A_15 = vector.extract_strided_slice %get3A_9 {offsets = [1, 0], sizes = [1, 4096], strides = [1, 1]} : vector<3x4096xf32> to vector<1x4096xf32>
    %squeeze3A_16 = vector.shape_cast %slice3A_15 : vector<1x4096xf32> to vector<4096xf32>
    %reshape3A_17 = vector.shape_cast %squeeze3A_16 : vector<4096xf32> to vector<4096x1xf32>
    %mul3A_18 = vector.broadcast %reshape3A_17 : vector<4096x1xf32> to vector<4096x128xf32>
    %mul3A_19 = arith.mulf %squeeze3A_14, %mul3A_18 : vector<4096x128xf32>
    %add3A = arith.addf %mul3A_12, %mul3A_19 : vector<4096x128xf32>
    %slice3A_20 = vector.extract_strided_slice %get3A_4 {offsets = [2, 0, 0], sizes = [1, 4096, 128], strides = [1, 1, 1]} : vector<3x4096x128xf32> to vector<1x4096x128xf32>
    %squeeze3A_21 = vector.shape_cast %slice3A_20 : vector<1x4096x128xf32> to vector<4096x128xf32>
    %slice3A_22 = vector.extract_strided_slice %get3A_9 {offsets = [2, 0], sizes = [1, 4096], strides = [1, 1]} : vector<3x4096xf32> to vector<1x4096xf32>
    %squeeze3A_23 = vector.shape_cast %slice3A_22 : vector<1x4096xf32> to vector<4096xf32>
    %reshape3A_24 = vector.shape_cast %squeeze3A_23 : vector<4096xf32> to vector<4096x1xf32>
    %mul3A_25 = vector.broadcast %reshape3A_24 : vector<4096x1xf32> to vector<4096x128xf32>
    %mul3A_26 = arith.mulf %squeeze3A_21, %mul3A_25 : vector<4096x128xf32>
    %add3A_27 = arith.addf %add3A, %mul3A_26 : vector<4096x128xf32>
    %get3A_28 = arith.constant 0 : index
    %get3A_29 = arith.constant 0 : index
    %get3A_30 = arith.constant 0 : index
    %get3A_31 = vector.load %arg4[%get3A_28, %get3A_29, %get3A_30] : memref<1x64x4096xf32, #tpu.memory_space<vmem>>, vector<1x64x4096xf32>
    %get3A_32 = vector.shape_cast %get3A_31 : vector<1x64x4096xf32> to vector<64x4096xf32>
    %get3A_33 = arith.constant 0 : index
    %get3A_34 = arith.constant 0 : index
    %get3A_35 = vector.load %arg5[%get3A_33, %get3A_34] : memref<64x128xf32, #tpu.memory_space<vmem>>, vector<64x128xf32>
    %dot_general3A = arith.constant dense<0.000000e+00> : vector<4096x128xf32>
    %dot_general3A_36 = tpu.matmul %get3A_32, %get3A_35, %dot_general3A {dimension_numbers = #tpu.dot_dimension_numbers<[0], [0], [1], [1], [0, 1, 1, 1], [], []>, transpose_lhs_hint = false} : vector<64x4096xf32>, vector<64x128xf32>, vector<4096x128xf32> -> vector<4096x128xf32>
    %get3A_37 = arith.constant 0 : index
    %get3A_38 = arith.constant 0 : index
    %get3A_39 = vector.load %arg6[%get3A_37, %get3A_38] : memref<128x128xf32, #tpu.memory_space<vmem>>, vector<128x128xf32>
    %dot_general3A_40 = arith.constant dense<0.000000e+00> : vector<4096x128xf32>
    %dot_general3A_41 = tpu.matmul %add3A_27, %get3A_39, %dot_general3A_40 {dimension_numbers = #tpu.dot_dimension_numbers<[1], [0], [0], [1], [0, 0, 1, 1], [], []>, transpose_lhs_hint = false} : vector<4096x128xf32>, vector<128x128xf32>, vector<4096x128xf32> -> vector<4096x128xf32>
    %add3A_42 = arith.addf %dot_general3A_36, %dot_general3A_41 : vector<4096x128xf32>
    %get3A_43 = arith.constant 0 : index
    %get3A_44 = arith.constant 0 : index
    %get3A_45 = vector.load %arg7[%get3A_43, %get3A_44] : memref<1x128xf32, #tpu.memory_space<vmem>>, vector<1x128xf32>
    %add3A_46 = vector.broadcast %get3A_45 : vector<1x128xf32> to vector<4096x128xf32>
    %add3A_47 = arith.addf %add3A_42, %add3A_46 : vector<4096x128xf32>
    %convert_element_type3A = arith.truncf %add3A_47 : vector<4096x128xf32> to vector<4096x128xbf16>
    %swap3A = arith.constant 0 : index
    %swap3A_48 = arith.constant 0 : index
    %swap3A_49 = arith.constant 0 : index
    %swap3A_50 = vector.load %arg8[%swap3A, %swap3A_48, %swap3A_49] : memref<1x4096x128xbf16, #tpu.memory_space<vmem>>, vector<1x4096x128xbf16>
    %swap3A_51 = vector.shape_cast %swap3A_50 : vector<1x4096x128xbf16> to vector<4096x128xbf16>
    %swap3A_52 = vector.shape_cast %convert_element_type3A : vector<4096x128xbf16> to vector<1x4096x128xbf16>
    tpu.vector_store %arg8[%swap3A, %swap3A_48, %swap3A_49], %swap3A_52 {strides = array<i32>} : memref<1x4096x128xbf16, #tpu.memory_space<vmem>>, vector<1x4096x128xbf16>,
    %reduce_sum3A = arith.constant dense<0.000000e+00> : vector<128xf32>
    %reduce_sum3A_53 = vector.multi_reduction <add>, %add3A_47, %reduce_sum3A [0] : vector<4096x128xf32> to vector<128xf32>
    %broadcast_in_dim3A = vector.shape_cast %reduce_sum3A_53 : vector<128xf32> to vector<1x128xf32>
    %swap3A_54 = arith.constant 0 : index
    %swap3A_55 = arith.constant 0 : index
    %swap3A_56 = arith.constant 0 : index
    %swap3A_57 = arith.constant 0 : index
    %swap3A_58 = vector.load %arg9[%swap3A_54, %swap3A_55, %swap3A_56, %swap3A_57] : memref<1x1x1x128xf32, #tpu.memory_space<vmem>>, vector<1x1x1x128xf32>
    %swap3A_59 = vector.shape_cast %swap3A_58 : vector<1x1x1x128xf32> to vector<1x128xf32>
    %swap3A_60 = vector.shape_cast %broadcast_in_dim3A : vector<1x128xf32> to vector<1x1x1x128xf32>
    tpu.vector_store %arg9[%swap3A_54, %swap3A_55, %swap3A_56, %swap3A_57], %swap3A_60 {strides = array<i32>} : memref<1x1x1x128xf32, #tpu.memory_space<vmem>>, vector<1x1x1x128xf32>,
    %mul3A_61 = arith.mulf %add3A_47, %add3A_47 : vector<4096x128xf32>
    %reduce_sum3A_62 = arith.constant dense<0.000000e+00> : vector<128xf32>
    %reduce_sum3A_63 = vector.multi_reduction <add>, %mul3A_61, %reduce_sum3A_62 [0] : vector<4096x128xf32> to vector<128xf32>
    %broadcast_in_dim3A_64 = vector.shape_cast %reduce_sum3A_63 : vector<128xf32> to vector<1x128xf32>
    %swap3A_65 = arith.constant 0 : index
    %swap3A_66 = arith.constant 0 : index
    %swap3A_67 = arith.constant 0 : index
    %swap3A_68 = arith.constant 0 : index
    %swap3A_69 = vector.load %arg10[%swap3A_65, %swap3A_66, %swap3A_67, %swap3A_68] : memref<1x1x1x128xf32, #tpu.memory_space<vmem>>, vector<1x1x1x128xf32>
    %swap3A_70 = vector.shape_cast %swap3A_69 : vector<1x1x1x128xf32> to vector<1x128xf32>
    %swap3A_71 = vector.shape_cast %broadcast_in_dim3A_64 : vector<1x128xf32> to vector<1x1x1x128xf32>
    tpu.vector_store %arg10[%swap3A_65, %swap3A_66, %swap3A_67, %swap3A_68], %swap3A_71 {strides = array<i32>} : memref<1x1x1x128xf32, #tpu.memory_space<vmem>>, vector<1x1x1x128xf32>,
    return
  }
  func.func @transform_0(%arg0: i32, %arg1: i32) -> (i32, i32, i32, i32) {
    %c0_i32 = arith.constant 0 : i32
    %c0_i32_0 = arith.constant 0 : i32
    %c0_i32_1 = arith.constant 0 : i32
    return %arg0, %c0_i32, %arg1, %c0_i32_0 : i32, i32, i32, i32
  }
  func.func @transform_1(%arg0: i32, %arg1: i32) -> (i32, i32, i32) {
    %c0_i32 = arith.constant 0 : i32
    %c0_i32_0 = arith.constant 0 : i32
    return %arg0, %c0_i32, %arg1 : i32, i32, i32
  }
  func.func @transform_2(%arg0: i32, %arg1: i32) -> (i32, i32, i32) {
    %c0_i32 = arith.constant 0 : i32
    %c0_i32_0 = arith.constant 0 : i32
    return %arg0, %c0_i32, %arg1 : i32, i32, i32
  }
  func.func @transform_3(%arg0: i32, %arg1: i32) -> (i32, i32) {
    %c0_i32 = arith.constant 0 : i32
    %c0_i32_0 = arith.constant 0 : i32
    %c0_i32_1 = arith.constant 0 : i32
    return %c0_i32, %c0_i32_0 : i32, i32
  }
  func.func @transform_4(%arg0: i32, %arg1: i32) -> (i32, i32) {
    %c0_i32 = arith.constant 0 : i32
    %c0_i32_0 = arith.constant 0 : i32
    %c0_i32_1 = arith.constant 0 : i32
    return %c0_i32, %c0_i32_0 : i32, i32
  }
  func.func @transform_5(%arg0: i32, %arg1: i32) -> (i32, i32) {
    %c0_i32 = arith.constant 0 : i32
    %c0_i32_0 = arith.constant 0 : i32
    %c0_i32_1 = arith.constant 0 : i32
    return %c0_i32, %c0_i32_0 : i32, i32
  }
  func.func @transform_6(%arg0: i32, %arg1: i32) -> (i32, i32, i32) {
    %c0_i32 = arith.constant 0 : i32
    %c0_i32_0 = arith.constant 0 : i32
    return %arg0, %arg1, %c0_i32 : i32, i32, i32
  }
  func.func @transform_7(%arg0: i32, %arg1: i32) -> (i32, i32, i32, i32) {
    %c0_i32 = arith.constant 0 : i32
    %c0_i32_0 = arith.constant 0 : i32
    %c0_i32_1 = arith.constant 0 : i32
    return %arg0, %arg1, %c0_i32, %c0_i32_0 : i32, i32, i32, i32
  }
  func.func @transform_8(%arg0: i32, %arg1: i32) -> (i32, i32, i32, i32) {
    %c0_i32 = arith.constant 0 : i32
    %c0_i32_0 = arith.constant 0 : i32
    %c0_i32_1 = arith.constant 0 : i32
    return %arg0, %arg1, %c0_i32, %c0_i32_0 : i32, i32, i32, i32
  }
}

module attributes {stable_mosaic.version = 14 : i64} {
  func.func @_mlp1_body(%arg0: i32, %arg1: i32, %arg2: memref<1x4096x128xbf16, #tpu.memory_space<vmem>>, %arg3: memref<1x4096x128xbf16, #tpu.memory_space<vmem>>, %arg4: memref<4x1x1x128xf32, #tpu.memory_space<vmem>>, %arg5: memref<4x1x1x128xf32, #tpu.memory_space<vmem>>, %arg6: memref<4x1x1x128xf32, #tpu.memory_space<vmem>>, %arg7: memref<4x1x1x128xf32, #tpu.memory_space<vmem>>, %arg8: memref<1x128xf32, #tpu.memory_space<vmem>>, %arg9: memref<1x128xf32, #tpu.memory_space<vmem>>, %arg10: memref<128x128xf32, #tpu.memory_space<vmem>>, %arg11: memref<1x128xf32, #tpu.memory_space<vmem>>, %arg12: memref<1x4096x128xbf16, #tpu.memory_space<vmem>>, %arg13: memref<1x1x1x128xf32, #tpu.memory_space<vmem>>, %arg14: memref<1x1x1x128xf32, #tpu.memory_space<vmem>>) attributes {dimension_semantics = [#tpu.dimension_semantics<parallel>, #tpu.dimension_semantics<parallel>], iteration_bounds = array<i64: 8, 1>, scalar_prefetch = 0 : i64, scratch_operands = 0 : i64, tpu.core_type = #tpu.core_type<tc>, window_params = [{transform_indices = @transform_0, window_bounds = array<i64: 1, 4096, 128>}, {transform_indices = @transform_1, window_bounds = array<i64: 1, 4096, 128>}, {pipeline_mode = #tpu.pipeline_mode<synchronous>, transform_indices = @transform_2, window_bounds = array<i64: 4, 1, 1, 128>}, {pipeline_mode = #tpu.pipeline_mode<synchronous>, transform_indices = @transform_3, window_bounds = array<i64: 4, 1, 1, 128>}, {pipeline_mode = #tpu.pipeline_mode<synchronous>, transform_indices = @transform_4, window_bounds = array<i64: 4, 1, 1, 128>}, {pipeline_mode = #tpu.pipeline_mode<synchronous>, transform_indices = @transform_5, window_bounds = array<i64: 4, 1, 1, 128>}, {pipeline_mode = #tpu.pipeline_mode<synchronous>, transform_indices = @transform_6, window_bounds = array<i64: 1, 128>}, {pipeline_mode = #tpu.pipeline_mode<synchronous>, transform_indices = @transform_7, window_bounds = array<i64: 1, 128>}, {pipeline_mode = #tpu.pipeline_mode<synchronous>, transform_indices = @transform_8, window_bounds = array<i64: 128, 128>}, {pipeline_mode = #tpu.pipeline_mode<synchronous>, transform_indices = @transform_9, window_bounds = array<i64: 1, 128>}, {transform_indices = @transform_10, window_bounds = array<i64: 1, 4096, 128>}, {transform_indices = @transform_11, window_bounds = array<i64: 1, 1, 1, 128>}, {transform_indices = @transform_12, window_bounds = array<i64: 1, 1, 1, 128>}]} {
    %get3A = arith.constant 0 : index
    %get3A_0 = arith.constant 0 : index
    %get3A_1 = arith.constant 0 : index
    %get3A_2 = arith.constant 0 : index
    %get3A_3 = vector.load %arg4[%get3A, %get3A_0, %get3A_1, %get3A_2] : memref<4x1x1x128xf32, #tpu.memory_space<vmem>>, vector<4x1x1x128xf32>
    %reduce_sum3A = arith.constant dense<0.000000e+00> : vector<128xf32>
    %reduce_sum3A_4 = vector.multi_reduction <add>, %get3A_3, %reduce_sum3A [0, 1, 2] : vector<4x1x1x128xf32> to vector<128xf32>
    %get3A_5 = arith.constant 0 : index
    %get3A_6 = arith.constant 0 : index
    %get3A_7 = arith.constant 0 : index
    %get3A_8 = arith.constant 0 : index
    %get3A_9 = vector.load %arg5[%get3A_5, %get3A_6, %get3A_7, %get3A_8] : memref<4x1x1x128xf32, #tpu.memory_space<vmem>>, vector<4x1x1x128xf32>
    %reduce_sum3A_10 = arith.constant dense<0.000000e+00> : vector<128xf32>
    %reduce_sum3A_11 = vector.multi_reduction <add>, %get3A_9, %reduce_sum3A_10 [0, 1, 2] : vector<4x1x1x128xf32> to vector<128xf32>
    %add3A = arith.addf %reduce_sum3A_4, %reduce_sum3A_11 : vector<128xf32>
    %broadcast_in_dim3A = vector.shape_cast %add3A : vector<128xf32> to vector<1x128xf32>
    %get3A_12 = arith.constant 0 : index
    %get3A_13 = arith.constant 0 : index
    %get3A_14 = arith.constant 0 : index
    %get3A_15 = arith.constant 0 : index
    %get3A_16 = vector.load %arg6[%get3A_12, %get3A_13, %get3A_14, %get3A_15] : memref<4x1x1x128xf32, #tpu.memory_space<vmem>>, vector<4x1x1x128xf32>
    %reduce_sum3A_17 = arith.constant dense<0.000000e+00> : vector<128xf32>
    %reduce_sum3A_18 = vector.multi_reduction <add>, %get3A_16, %reduce_sum3A_17 [0, 1, 2] : vector<4x1x1x128xf32> to vector<128xf32>
    %get3A_19 = arith.constant 0 : index
    %get3A_20 = arith.constant 0 : index
    %get3A_21 = arith.constant 0 : index
    %get3A_22 = arith.constant 0 : index
    %get3A_23 = vector.load %arg7[%get3A_19, %get3A_20, %get3A_21, %get3A_22] : memref<4x1x1x128xf32, #tpu.memory_space<vmem>>, vector<4x1x1x128xf32>
    %reduce_sum3A_24 = arith.constant dense<0.000000e+00> : vector<128xf32>
    %reduce_sum3A_25 = vector.multi_reduction <add>, %get3A_23, %reduce_sum3A_24 [0, 1, 2] : vector<4x1x1x128xf32> to vector<128xf32>
    %add3A_26 = arith.addf %reduce_sum3A_18, %reduce_sum3A_25 : vector<128xf32>
    %broadcast_in_dim3A_27 = vector.shape_cast %add3A_26 : vector<128xf32> to vector<1x128xf32>
    %mul3A = arith.constant 3.05175781E-5 : f32
    %mul3A_28 = vector.broadcast %mul3A : f32 to vector<1x128xf32>
    %mul3A_29 = arith.mulf %broadcast_in_dim3A, %mul3A_28 : vector<1x128xf32>
    %mul3A_30 = arith.constant 3.05175781E-5 : f32
    %mul3A_31 = vector.broadcast %mul3A_30 : f32 to vector<1x128xf32>
    %mul3A_32 = arith.mulf %broadcast_in_dim3A_27, %mul3A_31 : vector<1x128xf32>
    %mul3A_33 = arith.mulf %mul3A_29, %mul3A_29 : vector<1x128xf32>
    %sub3A = arith.subf %mul3A_32, %mul3A_33 : vector<1x128xf32>
    %get3A_34 = arith.constant 0 : index
    %get3A_35 = arith.constant 0 : index
    %get3A_36 = vector.load %arg8[%get3A_34, %get3A_35] : memref<1x128xf32, #tpu.memory_space<vmem>>, vector<1x128xf32>
    %add3A_37 = arith.constant 9.99999974E-6 : f32
    %add3A_38 = vector.broadcast %add3A_37 : f32 to vector<1x128xf32>
    %add3A_39 = arith.addf %sub3A, %add3A_38 : vector<1x128xf32>
    %rsqrt3A = math.rsqrt %add3A_39 : vector<1x128xf32>
    %mul3A_40 = arith.mulf %get3A_36, %rsqrt3A : vector<1x128xf32>
    %get3A_41 = arith.constant 0 : index
    %get3A_42 = arith.constant 0 : index
    %get3A_43 = vector.load %arg9[%get3A_41, %get3A_42] : memref<1x128xf32, #tpu.memory_space<vmem>>, vector<1x128xf32>
    %mul3A_44 = arith.mulf %mul3A_29, %mul3A_40 : vector<1x128xf32>
    %sub3A_45 = arith.subf %get3A_43, %mul3A_44 : vector<1x128xf32>
    %lt3A = arith.constant 4 : i32
    %lt3A_46 = arith.cmpi slt, %arg0, %lt3A : i32
    %get3A_47 = arith.constant 0 : index
    %get3A_48 = arith.constant 0 : index
    %get3A_49 = arith.constant 0 : index
    %get3A_50 = vector.load %arg2[%get3A_47, %get3A_48, %get3A_49] : memref<1x4096x128xbf16, #tpu.memory_space<vmem>>, vector<1x4096x128xbf16>
    %get3A_51 = vector.shape_cast %get3A_50 : vector<1x4096x128xbf16> to vector<4096x128xbf16>
    %get3A_52 = arith.constant 0 : index
    %get3A_53 = arith.constant 0 : index
    %get3A_54 = arith.constant 0 : index
    %get3A_55 = vector.load %arg3[%get3A_52, %get3A_53, %get3A_54] : memref<1x4096x128xbf16, #tpu.memory_space<vmem>>, vector<1x4096x128xbf16>
    %get3A_56 = vector.shape_cast %get3A_55 : vector<1x4096x128xbf16> to vector<4096x128xbf16>
    %select_n3A = arith.select %lt3A_46, %get3A_51, %get3A_56 : vector<4096x128xbf16>
    %convert_element_type3A = arith.extf %select_n3A : vector<4096x128xbf16> to vector<4096x128xf32>
    %mul3A_57 = vector.broadcast %mul3A_40 : vector<1x128xf32> to vector<4096x128xf32>
    %mul3A_58 = arith.mulf %convert_element_type3A, %mul3A_57 : vector<4096x128xf32>
    %add3A_59 = vector.broadcast %sub3A_45 : vector<1x128xf32> to vector<4096x128xf32>
    %add3A_60 = arith.addf %mul3A_58, %add3A_59 : vector<4096x128xf32>
    %max3A = arith.constant 0.000000e+00 : f32
    %max3A_61 = vector.broadcast %max3A : f32 to vector<4096x128xf32>
    %max3A_62 = arith.maximumf %add3A_60, %max3A_61 : vector<4096x128xf32>
    %get3A_63 = arith.constant 0 : index
    %get3A_64 = arith.constant 0 : index
    %get3A_65 = vector.load %arg10[%get3A_63, %get3A_64] : memref<128x128xf32, #tpu.memory_space<vmem>>, vector<128x128xf32>
    %dot_general3A = arith.constant dense<0.000000e+00> : vector<4096x128xf32>
    %dot_general3A_66 = tpu.matmul %max3A_62, %get3A_65, %dot_general3A {dimension_numbers = #tpu.dot_dimension_numbers<[1], [0], [0], [1], [0, 0, 1, 1], [], []>, transpose_lhs_hint = false} : vector<4096x128xf32>, vector<128x128xf32>, vector<4096x128xf32> -> vector<4096x128xf32>
    %get3A_67 = arith.constant 0 : index
    %get3A_68 = arith.constant 0 : index
    %get3A_69 = vector.load %arg11[%get3A_67, %get3A_68] : memref<1x128xf32, #tpu.memory_space<vmem>>, vector<1x128xf32>
    %add3A_70 = vector.broadcast %get3A_69 : vector<1x128xf32> to vector<4096x128xf32>
    %add3A_71 = arith.addf %dot_general3A_66, %add3A_70 : vector<4096x128xf32>
    %convert_element_type3A_72 = arith.truncf %add3A_71 : vector<4096x128xf32> to vector<4096x128xbf16>
    %swap3A = arith.constant 0 : index
    %swap3A_73 = arith.constant 0 : index
    %swap3A_74 = arith.constant 0 : index
    %swap3A_75 = vector.load %arg12[%swap3A, %swap3A_73, %swap3A_74] : memref<1x4096x128xbf16, #tpu.memory_space<vmem>>, vector<1x4096x128xbf16>
    %swap3A_76 = vector.shape_cast %swap3A_75 : vector<1x4096x128xbf16> to vector<4096x128xbf16>
    %swap3A_77 = vector.shape_cast %convert_element_type3A_72 : vector<4096x128xbf16> to vector<1x4096x128xbf16>
    tpu.vector_store %arg12[%swap3A, %swap3A_73, %swap3A_74], %swap3A_77 {strides = array<i32>} : memref<1x4096x128xbf16, #tpu.memory_space<vmem>>, vector<1x4096x128xbf16>,
    %reduce_sum3A_78 = arith.constant dense<0.000000e+00> : vector<128xf32>
    %reduce_sum3A_79 = vector.multi_reduction <add>, %add3A_71, %reduce_sum3A_78 [0] : vector<4096x128xf32> to vector<128xf32>
    %broadcast_in_dim3A_80 = vector.shape_cast %reduce_sum3A_79 : vector<128xf32> to vector<1x128xf32>
    %swap3A_81 = arith.constant 0 : index
    %swap3A_82 = arith.constant 0 : index
    %swap3A_83 = arith.constant 0 : index
    %swap3A_84 = arith.constant 0 : index
    %swap3A_85 = vector.load %arg13[%swap3A_81, %swap3A_82, %swap3A_83, %swap3A_84] : memref<1x1x1x128xf32, #tpu.memory_space<vmem>>, vector<1x1x1x128xf32>
    %swap3A_86 = vector.shape_cast %swap3A_85 : vector<1x1x1x128xf32> to vector<1x128xf32>
    %swap3A_87 = vector.shape_cast %broadcast_in_dim3A_80 : vector<1x128xf32> to vector<1x1x1x128xf32>
    tpu.vector_store %arg13[%swap3A_81, %swap3A_82, %swap3A_83, %swap3A_84], %swap3A_87 {strides = array<i32>} : memref<1x1x1x128xf32, #tpu.memory_space<vmem>>, vector<1x1x1x128xf32>,
    %mul3A_88 = arith.mulf %add3A_71, %add3A_71 : vector<4096x128xf32>
    %reduce_sum3A_89 = arith.constant dense<0.000000e+00> : vector<128xf32>
    %reduce_sum3A_90 = vector.multi_reduction <add>, %mul3A_88, %reduce_sum3A_89 [0] : vector<4096x128xf32> to vector<128xf32>
    %broadcast_in_dim3A_91 = vector.shape_cast %reduce_sum3A_90 : vector<128xf32> to vector<1x128xf32>
    %swap3A_92 = arith.constant 0 : index
    %swap3A_93 = arith.constant 0 : index
    %swap3A_94 = arith.constant 0 : index
    %swap3A_95 = arith.constant 0 : index
    %swap3A_96 = vector.load %arg14[%swap3A_92, %swap3A_93, %swap3A_94, %swap3A_95] : memref<1x1x1x128xf32, #tpu.memory_space<vmem>>, vector<1x1x1x128xf32>
    %swap3A_97 = vector.shape_cast %swap3A_96 : vector<1x1x1x128xf32> to vector<1x128xf32>
    %swap3A_98 = vector.shape_cast %broadcast_in_dim3A_91 : vector<1x128xf32> to vector<1x1x1x128xf32>
    tpu.vector_store %arg14[%swap3A_92, %swap3A_93, %swap3A_94, %swap3A_95], %swap3A_98 {strides = array<i32>} : memref<1x1x1x128xf32, #tpu.memory_space<vmem>>, vector<1x1x1x128xf32>,
    return
  }
  func.func @transform_0(%arg0: i32, %arg1: i32) -> (i32, i32, i32) {
    %min3A = arith.constant 3 : i32
    %min3A_0 = arith.minsi %arg0, %min3A : i32
    %lt3A = arith.constant 4 : i32
    %lt3A_1 = arith.cmpi slt, %arg0, %lt3A : i32
    %jit3A = arith.constant 0 : i32
    %select_n3A = arith.select %lt3A_1, %arg1, %jit3A : i32
    %c0_i32 = arith.constant 0 : i32
    %c0_i32_2 = arith.constant 0 : i32
    return %min3A_0, %select_n3A, %c0_i32 : i32, i32, i32
  }
  func.func @transform_1(%arg0: i32, %arg1: i32) -> (i32, i32, i32) {
    %sub3A = arith.constant 4 : i32
    %sub3A_0 = arith.subi %arg0, %sub3A : i32
    %max3A = arith.constant 0 : i32
    %max3A_1 = arith.maxsi %sub3A_0, %max3A : i32
    %lt3A = arith.constant 4 : i32
    %lt3A_2 = arith.cmpi slt, %arg0, %lt3A : i32
    %jit3A = arith.constant 0 : i32
    %select_n3A = arith.select %lt3A_2, %jit3A, %arg1 : i32
    %c0_i32 = arith.constant 0 : i32
    %c0_i32_3 = arith.constant 0 : i32
    return %max3A_1, %select_n3A, %c0_i32 : i32, i32, i32
  }
  func.func @transform_2(%arg0: i32, %arg1: i32) -> (i32, i32, i32, i32) {
    %c0_i32 = arith.constant 0 : i32
    %c0_i32_0 = arith.constant 0 : i32
    %c0_i32_1 = arith.constant 0 : i32
    %c0_i32_2 = arith.constant 0 : i32
    %c0_i32_3 = arith.constant 0 : i32
    return %c0_i32, %c0_i32_0, %c0_i32_1, %c0_i32_2 : i32, i32, i32, i32
  }
  func.func @transform_3(%arg0: i32, %arg1: i32) -> (i32, i32, i32, i32) {
    %c0_i32 = arith.constant 0 : i32
    %c0_i32_0 = arith.constant 0 : i32
    %c0_i32_1 = arith.constant 0 : i32
    %c0_i32_2 = arith.constant 0 : i32
    %c0_i32_3 = arith.constant 0 : i32
    return %c0_i32, %c0_i32_0, %c0_i32_1, %c0_i32_2 : i32, i32, i32, i32
  }
  func.func @transform_4(%arg0: i32, %arg1: i32) -> (i32, i32, i32, i32) {
    %c0_i32 = arith.constant 0 : i32
    %c0_i32_0 = arith.constant 0 : i32
    %c0_i32_1 = arith.constant 0 : i32
    %c0_i32_2 = arith.constant 0 : i32
    %c0_i32_3 = arith.constant 0 : i32
    return %c0_i32, %c0_i32_0, %c0_i32_1, %c0_i32_2 : i32, i32, i32, i32
  }
  func.func @transform_5(%arg0: i32, %arg1: i32) -> (i32, i32, i32, i32) {
    %c0_i32 = arith.constant 0 : i32
    %c0_i32_0 = arith.constant 0 : i32
    %c0_i32_1 = arith.constant 0 : i32
    %c0_i32_2 = arith.constant 0 : i32
    %c0_i32_3 = arith.constant 0 : i32
    return %c0_i32, %c0_i32_0, %c0_i32_1, %c0_i32_2 : i32, i32, i32, i32
  }
  func.func @transform_6(%arg0: i32, %arg1: i32) -> (i32, i32) {
    %c0_i32 = arith.constant 0 : i32
    %c0_i32_0 = arith.constant 0 : i32
    %c0_i32_1 = arith.constant 0 : i32
    return %c0_i32, %c0_i32_0 : i32, i32
  }
  func.func @transform_7(%arg0: i32, %arg1: i32) -> (i32, i32) {
    %c0_i32 = arith.constant 0 : i32
    %c0_i32_0 = arith.constant 0 : i32
    %c0_i32_1 = arith.constant 0 : i32
    return %c0_i32, %c0_i32_0 : i32, i32
  }
  func.func @transform_8(%arg0: i32, %arg1: i32) -> (i32, i32) {
    %c0_i32 = arith.constant 0 : i32
    %c0_i32_0 = arith.constant 0 : i32
    %c0_i32_1 = arith.constant 0 : i32
    return %c0_i32, %c0_i32_0 : i32, i32
  }
  func.func @transform_9(%arg0: i32, %arg1: i32) -> (i32, i32) {
    %c0_i32 = arith.constant 0 : i32
    %c0_i32_0 = arith.constant 0 : i32
    %c0_i32_1 = arith.constant 0 : i32
    return %c0_i32, %c0_i32_0 : i32, i32
  }
  func.func @transform_10(%arg0: i32, %arg1: i32) -> (i32, i32, i32) {
    %c0_i32 = arith.constant 0 : i32
    %c0_i32_0 = arith.constant 0 : i32
    return %arg0, %arg1, %c0_i32 : i32, i32, i32
  }
  func.func @transform_11(%arg0: i32, %arg1: i32) -> (i32, i32, i32, i32) {
    %c0_i32 = arith.constant 0 : i32
    %c0_i32_0 = arith.constant 0 : i32
    %c0_i32_1 = arith.constant 0 : i32
    return %arg0, %arg1, %c0_i32, %c0_i32_0 : i32, i32, i32, i32
  }
  func.func @transform_12(%arg0: i32, %arg1: i32) -> (i32, i32, i32, i32) {
    %c0_i32 = arith.constant 0 : i32
    %c0_i32_0 = arith.constant 0 : i32
    %c0_i32_1 = arith.constant 0 : i32
    return %arg0, %arg1, %c0_i32, %c0_i32_0 : i32, i32, i32, i32
  }
}

module attributes {stable_mosaic.version = 14 : i64} {
  func.func @_out_body(%arg0: i32, %arg1: i32, %arg2: memref<1x4096x128xbf16, #tpu.memory_space<vmem>>, %arg3: memref<8x1x1x128xf32, #tpu.memory_space<vmem>>, %arg4: memref<8x1x1x128xf32, #tpu.memory_space<vmem>>, %arg5: memref<1x128xf32, #tpu.memory_space<vmem>>, %arg6: memref<1x128xf32, #tpu.memory_space<vmem>>, %arg7: memref<1x128x4096xf32, #tpu.memory_space<vmem>>) attributes {dimension_semantics = [#tpu.dimension_semantics<parallel>, #tpu.dimension_semantics<parallel>], iteration_bounds = array<i64: 8, 1>, scalar_prefetch = 0 : i64, scratch_operands = 0 : i64, tpu.core_type = #tpu.core_type<tc>, window_params = [{transform_indices = @transform_0, window_bounds = array<i64: 1, 4096, 128>}, {pipeline_mode = #tpu.pipeline_mode<synchronous>, transform_indices = @transform_1, window_bounds = array<i64: 8, 1, 1, 128>}, {pipeline_mode = #tpu.pipeline_mode<synchronous>, transform_indices = @transform_2, window_bounds = array<i64: 8, 1, 1, 128>}, {pipeline_mode = #tpu.pipeline_mode<synchronous>, transform_indices = @transform_3, window_bounds = array<i64: 1, 128>}, {pipeline_mode = #tpu.pipeline_mode<synchronous>, transform_indices = @transform_4, window_bounds = array<i64: 1, 128>}, {transform_indices = @transform_5, window_bounds = array<i64: 1, 128, 4096>}]} {
    %get3A = arith.constant 0 : index
    %get3A_0 = arith.constant 0 : index
    %get3A_1 = arith.constant 0 : index
    %get3A_2 = arith.constant 0 : index
    %get3A_3 = vector.load %arg3[%get3A, %get3A_0, %get3A_1, %get3A_2] : memref<8x1x1x128xf32, #tpu.memory_space<vmem>>, vector<8x1x1x128xf32>
    %get3A_4 = arith.constant 0 : index
    %get3A_5 = arith.constant 0 : index
    %get3A_6 = arith.constant 0 : index
    %get3A_7 = arith.constant 0 : index
    %get3A_8 = vector.load %arg4[%get3A_4, %get3A_5, %get3A_6, %get3A_7] : memref<8x1x1x128xf32, #tpu.memory_space<vmem>>, vector<8x1x1x128xf32>
    %get3A_9 = arith.constant 0 : index
    %get3A_10 = arith.constant 0 : index
    %get3A_11 = vector.load %arg5[%get3A_9, %get3A_10] : memref<1x128xf32, #tpu.memory_space<vmem>>, vector<1x128xf32>
    %get3A_12 = arith.constant 0 : index
    %get3A_13 = arith.constant 0 : index
    %get3A_14 = vector.load %arg6[%get3A_12, %get3A_13] : memref<1x128xf32, #tpu.memory_space<vmem>>, vector<1x128xf32>
    %reduce_sum3A = arith.constant dense<0.000000e+00> : vector<128xf32>
    %reduce_sum3A_15 = vector.multi_reduction <add>, %get3A_3, %reduce_sum3A [0, 1, 2] : vector<8x1x1x128xf32> to vector<128xf32>
    %broadcast_in_dim3A = vector.shape_cast %reduce_sum3A_15 : vector<128xf32> to vector<1x128xf32>
    %reduce_sum3A_16 = arith.constant dense<0.000000e+00> : vector<128xf32>
    %reduce_sum3A_17 = vector.multi_reduction <add>, %get3A_8, %reduce_sum3A_16 [0, 1, 2] : vector<8x1x1x128xf32> to vector<128xf32>
    %broadcast_in_dim3A_18 = vector.shape_cast %reduce_sum3A_17 : vector<128xf32> to vector<1x128xf32>
    %mul3A = arith.constant 3.05175781E-5 : f32
    %mul3A_19 = vector.broadcast %mul3A : f32 to vector<1x128xf32>
    %mul3A_20 = arith.mulf %broadcast_in_dim3A, %mul3A_19 : vector<1x128xf32>
    %mul3A_21 = arith.constant 3.05175781E-5 : f32
    %mul3A_22 = vector.broadcast %mul3A_21 : f32 to vector<1x128xf32>
    %mul3A_23 = arith.mulf %broadcast_in_dim3A_18, %mul3A_22 : vector<1x128xf32>
    %mul3A_24 = arith.mulf %mul3A_20, %mul3A_20 : vector<1x128xf32>
    %sub3A = arith.subf %mul3A_23, %mul3A_24 : vector<1x128xf32>
    %add3A = arith.constant 9.99999974E-6 : f32
    %add3A_25 = vector.broadcast %add3A : f32 to vector<1x128xf32>
    %add3A_26 = arith.addf %sub3A, %add3A_25 : vector<1x128xf32>
    %rsqrt3A = math.rsqrt %add3A_26 : vector<1x128xf32>
    %mul3A_27 = arith.mulf %get3A_11, %rsqrt3A : vector<1x128xf32>
    %mul3A_28 = arith.mulf %mul3A_20, %mul3A_27 : vector<1x128xf32>
    %sub3A_29 = arith.subf %get3A_14, %mul3A_28 : vector<1x128xf32>
    %get3A_30 = arith.constant 0 : index
    %get3A_31 = arith.constant 0 : index
    %get3A_32 = arith.constant 0 : index
    %get3A_33 = vector.load %arg2[%get3A_30, %get3A_31, %get3A_32] : memref<1x4096x128xbf16, #tpu.memory_space<vmem>>, vector<1x4096x128xbf16>
    %get3A_34 = vector.shape_cast %get3A_33 : vector<1x4096x128xbf16> to vector<4096x128xbf16>
    %convert_element_type3A = arith.extf %get3A_34 : vector<4096x128xbf16> to vector<4096x128xf32>
    %mul3A_35 = vector.broadcast %mul3A_27 : vector<1x128xf32> to vector<4096x128xf32>
    %mul3A_36 = arith.mulf %convert_element_type3A, %mul3A_35 : vector<4096x128xf32>
    %add3A_37 = vector.broadcast %sub3A_29 : vector<1x128xf32> to vector<4096x128xf32>
    %add3A_38 = arith.addf %mul3A_36, %add3A_37 : vector<4096x128xf32>
    %max3A = arith.constant 0.000000e+00 : f32
    %max3A_39 = vector.broadcast %max3A : f32 to vector<4096x128xf32>
    %max3A_40 = arith.maximumf %add3A_38, %max3A_39 : vector<4096x128xf32>
    %transpose3A = tpu.transpose %max3A_40, [1, 0] : vector<4096x128xf32> -> vector<128x4096xf32>
    %swap3A = arith.constant 0 : index
    %swap3A_41 = arith.constant 0 : index
    %swap3A_42 = arith.constant 0 : index
    %swap3A_43 = vector.load %arg7[%swap3A, %swap3A_41, %swap3A_42] : memref<1x128x4096xf32, #tpu.memory_space<vmem>>, vector<1x128x4096xf32>
    %swap3A_44 = vector.shape_cast %swap3A_43 : vector<1x128x4096xf32> to vector<128x4096xf32>
    %swap3A_45 = vector.shape_cast %transpose3A : vector<128x4096xf32> to vector<1x128x4096xf32>
    tpu.vector_store %arg7[%swap3A, %swap3A_41, %swap3A_42], %swap3A_45 {strides = array<i32>} : memref<1x128x4096xf32, #tpu.memory_space<vmem>>, vector<1x128x4096xf32>,
    return
  }
  func.func @transform_0(%arg0: i32, %arg1: i32) -> (i32, i32, i32) {
    %c0_i32 = arith.constant 0 : i32
    %c0_i32_0 = arith.constant 0 : i32
    return %arg0, %arg1, %c0_i32 : i32, i32, i32
  }
  func.func @transform_1(%arg0: i32, %arg1: i32) -> (i32, i32, i32, i32) {
    %c0_i32 = arith.constant 0 : i32
    %c0_i32_0 = arith.constant 0 : i32
    %c0_i32_1 = arith.constant 0 : i32
    %c0_i32_2 = arith.constant 0 : i32
    %c0_i32_3 = arith.constant 0 : i32
    return %c0_i32, %c0_i32_0, %c0_i32_1, %c0_i32_2 : i32, i32, i32, i32
  }
  func.func @transform_2(%arg0: i32, %arg1: i32) -> (i32, i32, i32, i32) {
    %c0_i32 = arith.constant 0 : i32
    %c0_i32_0 = arith.constant 0 : i32
    %c0_i32_1 = arith.constant 0 : i32
    %c0_i32_2 = arith.constant 0 : i32
    %c0_i32_3 = arith.constant 0 : i32
    return %c0_i32, %c0_i32_0, %c0_i32_1, %c0_i32_2 : i32, i32, i32, i32
  }
  func.func @transform_3(%arg0: i32, %arg1: i32) -> (i32, i32) {
    %c0_i32 = arith.constant 0 : i32
    %c0_i32_0 = arith.constant 0 : i32
    %c0_i32_1 = arith.constant 0 : i32
    return %c0_i32, %c0_i32_0 : i32, i32
  }
  func.func @transform_4(%arg0: i32, %arg1: i32) -> (i32, i32) {
    %c0_i32 = arith.constant 0 : i32
    %c0_i32_0 = arith.constant 0 : i32
    %c0_i32_1 = arith.constant 0 : i32
    return %c0_i32, %c0_i32_0 : i32, i32
  }
  func.func @transform_5(%arg0: i32, %arg1: i32) -> (i32, i32, i32) {
    %c0_i32 = arith.constant 0 : i32
    %c0_i32_0 = arith.constant 0 : i32
    return %arg0, %c0_i32, %arg1 : i32, i32, i32
  }
}

</mosaic_0001>

<sc_bundles>
// kernel: kernel.10.cloned.1.call-start
scs
__scs_entry_jumppad:
0x0: {  	(pc) =	sbr.rel $0x88, $3  }
0x1: {  	(tag) =	ssettag $0x0;
	lr =	simm.s32 $0x1  }
0x2: {  	[smem:$0x3F95] =	sst lr;
	_ =	strace $0xD0000000  }
0x3: {  	_ = 	snop  }
0x4: {  	_ = 	snop  }
0x5: {  	_ = 	snop  }
0x6: {  	_ = 	snop  }
0x7: {  	_ = 	snop  }
__scs_overlays_trampoline_lowered:
0x8: {  	[smem:$0x3FA4] =	sst s0  }
0x9: {  	[smem:$0x3FA5] =	sst s1  }
0xa: {  	[smem:$0x3FA6] =	sst s2  }
0xb: {  	[smem:$0x3FA7] =	sst s3  }
0xc: {  	[smem:$0x3FA8] =	sst s4  }
0xd: {  	[smem:$0x3FA9] =	sst s5  }
0xe: {  	[smem:$0x3FAA] =	sst s6  }
0xf: {  	[smem:$0x3FAB] =	sst s7  }
0x10: {  	[smem:$0x3FAC] =	sst s8  }
0x11: {  	[smem:$0x3FAD] =	sst s9;
	s0 =	simm.s32 @!p0 $0x0  }
0x12: {  	s1 =	sld [smem:$0x3F93];
	s0 =	simm.s32 @p0 $0x1  }
0x13: {  	[smem:$0x3FAE] =	sst s0;
	s0 =	simm.s32 @!p1 $0x0  }
0x14: {  	s2 =	sld [smem:$0x3F92];
	s0 =	simm.s32 @p1 $0x1  }
0x15: {  	[smem:$0x3FAF] =	sst s0;
	s0 =	simm.s32 @!p2 $0x0  }
0x16: {  	s3 =	sld [smem:$0x3FDB];
	s0 =	simm.s32 @p2 $0x1  }
0x17: {  	s4 =	simm.s32 $0x1BF5;
	[smem:$0x3FB1] =	sst s0  }
0x18: {  	s0 =	sld [smem:$0x3F94];
	_ =	swait.ge [sflag:s4], $0x0  }
0x19: {  	s7 =	sld [smem:$0x3F95]  }
0x1a: {  	s8 =	sadd.s32 $0xFFFFE003, lr  }
0x1b: {  	s9 =	sadd.s32 $0xFFFFFEF7, lr;
	s5 =	simm.s32 $0xFFFFFFFF;
	p2 =	slt.u32 s8, $0xFFFFF086  }
0x1c: {  	p1 =	slt.u32 s9, $0xF7A;
	s5 =	simm.s32 @!p2 $0x0  }
0x1d: {  	s5 =	simm.s32 @p1 $0x1;
	p0 =	seq.s32 s7, s2  }
0x1e: {  	s7 =	smul.u32 @!p0 $0xF7A, s2;
	p2 =	seq.s32 @!p0 s5, $0x0  }
0x1f: {  	s9 =	smul.u32 $0xF7A, s1;
	s8 =	simm.s32 @!p0 $0x1BF5;
	p2 =	por !p2, p0  }
0x20: {  	[sflag:s8] =	ssyncset.s32 @!p0 $0xFFFFF086;
	s6 =	sadd.s32 @!p0 s3, s7;
	s7 =	simm.s32 @!p0 $0x108  }
0x21: {  	s3 =	sadd.s32 s3, s9;
	s6 =	sadd.s32 @!p0 $0x88, s6;
	s7 =	simm.s32 @p2 $0x1082  }
0x22: {  	[simem:s7], [sflag:s8] =	dma.local @!p0 [hbm:s6], $0xF7A  }
0x23: {  	s9 =	sor.u32 $0xD0000000, s2;
	s6 =	simm.s32 $0x108;
	_ =	swait.ge @!p0 [sflag:s8], $0x0  }
0x24: {  	s3 =	sadd.s32 $0x88, s3;
	s6 =	simm.s32 @!p1 $0x1082;
	[sflag:s4] =	ssyncset.s32 $0xFFFFF086  }
0x25: {  	[simem:s6], [sflag:s4] =	dma.local [hbm:s3], $0xF7A  }
0x26: {  	[smem:$0x3F95] =	sst s1;
	(tag) =	ssettag s2;
	_ =	strace s9  }
0x27: {  	s1 =	sld [smem:$0x3FA5]  }
0x28: {  	s2 =	sld [smem:$0x3FA6]  }
0x29: {  	s4 =	sld [smem:$0x3FA8]  }
0x2a: {  	p0 =	seq.s32 s5, $0x0;
	s5 =	sld [smem:$0x3FA9]  }
0x2b: {  	s6 =	sld [smem:$0x3FAA]  }
0x2c: {  	s7 =	sld [smem:$0x3FAB]  }
0x2d: {  	s3 =	simm.s32 $0x108;
	s8 =	sld [smem:$0x3FAC]  }
0x2e: {  	s3 =	simm.s32 @!p0 $0x1082;
	s9 =	sld [smem:$0x3FAD]  }
0x2f: {  	lr =	sadd.s32 s0, s3;
	s0 =	sld [smem:$0x3FA4]  }
0x30: {  	s3 =	sld [smem:$0x3FA7]  }
0x31: {  	[smem:$0x3FB0] =	sst s10  }
0x32: {  	s10 =	sld [smem:$0x3FAE];
	_ =	sdelay $0x3  }
0x33: {  	p0 =	seq.s32 s10, $0x1;
	s10 =	sld [smem:$0x3FB0];
	_ =	sdelay $0x3  }
0x34: {  	[smem:$0x3FB0] =	sst s10  }
0x35: {  	s10 =	sld [smem:$0x3FAF];
	_ =	sdelay $0x3  }
0x36: {  	p1 =	seq.s32 s10, $0x1;
	s10 =	sld [smem:$0x3FB0];
	_ =	sdelay $0x3  }
0x37: {  	[smem:$0x3FB0] =	sst s10  }
0x38: {  	s10 =	sld [smem:$0x3FB1]  }
0x39: {  	_ = 	snop;
	(pc) =	sbr.ind lr, $3  }
0x3a: {  	_ = 	snop  }
0x3b: {  	_ = 	snop  }
0x3c: {  	p2 =	seq.s32 s10, $0x1;
	s10 =	sld [smem:$0x3FB0]  }
0x3d: {  	_ =	shalt  }
0x3e: {  	_ =	shalt  }
0x3f: {  	_ =	shalt  }
0x40: {  	_ =	shalt  }
0x41: {  	_ =	shalt  }
0x42: {  	_ =	shalt  }
0x43: {  	_ =	shalt  }
0x44: {  	_ =	shalt  }
0x45: {  	_ =	shalt  }
0x46: {  	_ =	shalt  }
0x47: {  	_ =	shalt  }
0x48: {  	_ =	shalt  }
0x49: {  	_ =	shalt  }
0x4a: {  	_ =	shalt  }
0x4b: {  	_ =	shalt  }
0x4c: {  	_ =	shalt  }
0x4d: {  	_ =	shalt  }
0x4e: {  	_ =	shalt  }
0x4f: {  	_ =	shalt  }
0x50: {  	_ =	shalt  }
0x51: {  	_ =	shalt  }
0x52: {  	_ =	shalt  }
0x53: {  	_ =	shalt  }
0x54: {  	_ =	shalt  }
0x55: {  	_ =	shalt  }
0x56: {  	_ =	shalt  }
0x57: {  	_ =	shalt  }
0x58: {  	_ =	shalt  }
0x59: {  	_ =	shalt  }
0x5a: {  	_ =	shalt  }
0x5b: {  	_ =	shalt  }
0x5c: {  	_ =	shalt  }
0x5d: {  	_ =	shalt  }
0x5e: {  	_ =	shalt  }
0x5f: {  	_ =	shalt  }
0x60: {  	_ =	shalt  }
0x61: {  	_ =	shalt  }
0x62: {  	_ =	shalt  }
0x63: {  	_ =	shalt  }
0x64: {  	_ =	shalt  }
0x65: {  	_ =	shalt  }
0x66: {  	_ =	shalt  }
0x67: {  	_ =	shalt  }
0x68: {  	_ =	shalt  }
0x69: {  	_ =	shalt  }
0x6a: {  	_ =	shalt  }
0x6b: {  	_ =	shalt  }
0x6c: {  	_ =	shalt  }
0x6d: {  	_ =	shalt  }
0x6e: {  	_ =	shalt  }
0x6f: {  	_ =	shalt  }
0x70: {  	_ =	shalt  }
0x71: {  	_ =	shalt  }
0x72: {  	_ =	shalt  }
0x73: {  	_ =	shalt  }
0x74: {  	_ =	shalt  }
0x75: {  	_ =	shalt  }
0x76: {  	_ =	shalt  }
0x77: {  	_ =	shalt  }
0x78: {  	_ =	shalt  }
0x79: {  	_ =	shalt  }
0x7a: {  	_ =	shalt  }
0x7b: {  	_ =	shalt  }
0x7c: {  	_ =	shalt  }
0x7d: {  	_ =	shalt  }
0x7e: {  	_ =	shalt  }
0x7f: {  	_ =	shalt  }
0x80: {  	_ =	shalt  }
0x81: {  	_ =	shalt  }
0x82: {  	_ =	shalt  }
0x83: {  	_ =	shalt  }
0x84: {  	_ =	shalt  }
0x85: {  	_ =	shalt  }
0x86: {  	_ =	shalt  }
0x87: {  	_ =	shalt  }
.Lfunc_end0:
.L_simem_size_0:
called_computation_lowered:
.L_overlay_start_0:
0x88: {  	s2 =	sld [smem:$0x3FD9]  }
0x89: {  	s3 =	sld [smem:$0x3FFE];
	_ =	sdelay $0x1  }
0x8a: {  	s1 =	srdreg.scid  }
0x8b: {  	s0 =	sand.u32 $0x1, s1  }
0x8c: {  	s17 =	sshll.u32 s0, $0xA;
	s2 =	sadd.s32 s3, s2  }
0x8d: {  	s2 =	sadd.s32 s2, s17  }
0x8e: {  	[smem:$0x3FBC] =	sst s2  }
0x8f: {  	_ = 	snop  }
0x90: {  	s18 =	sld [smem:$0x3FD0];
	(tm) =	ssettm $0x1  }
0x91: {  	s19 =	sld [smem:$0x3FFB];
	_ =	sdelay $0x3  }
0x92: {  	_ =	strace s19  }
0x93: {  	s2 =	sld [smem:$0x3FFC];
	_ =	sdelay $0x3  }
0x94: {  	_ =	strace s2  }
0x95: {  	s2 =	sld [smem:$0x3FFD];
	_ =	sdelay $0x3  }
0x96: {  	_ =	strace s2  }
0x97: {  	_ =	strace $0x8FFFFFFF  }
0x98: {  	s20 =	sld [smem:$0x3FDB];
	_ =	sdelay $0x1  }
0x99: {  	s4 =	simm.s32 $_scs_section_size  }
0x9a: {  	s5 =	simm.s32 $_size__tile_overlayer_lowered;
	s6 =	simm.s32 $_tile_overlayer_lowered  }
0x9b: {  	s7 =	simm.s32 $0x1BFF;
	s21 =	sshll.u32 s6, $0x1;
	s4 =	sadd.s32 s4, s20  }
0x9c: {  	s22 =	simm.s32 $0x0;
	s5 =	sshll.u32 s5, $0x1;
	s6 =	sadd.s32 s21, s4  }
0x9d: {  	[timem:s22], [sflag:s7] =	dma.local [hbm:s6], s5  }
0x9e: {  	_ =	swait.ge [sflag:s7], s5  }
0x9f: {  	s5 =	ssub.s32 $0x0, s5;
	[sflag:s7] =	ssyncset.done $0x0  }
0xa0: {  	[sflag:s7] =	ssyncadd.s32 s5;
	_ =	sdelay $0x1  }
0xa1: {  	s23 =	simm.s32 $0x1B8B  }
0xa2: {  	_ =	swait.ge [sflag:s23], $0x1  }
0xa3: {  	[sflag:s23] =	ssyncset.done $0x0  }
0xa4: {  	[sflag:s23] =	ssyncadd.s32 $0xFFFFFFFF  }
0xa5: {  	s5 =	sld [smem:$0x0]  }
0xa6: {  	s6 =	sand.u32 $0xFFFFFFFE, s1  }
0xa7: {  	p0 =	sne.s32 s1, s6  }
0xa8: {  	s6 =	sshll.u32 @p0 s6, $0xE  }
0xa9: {  	s6 =	sadd.s32 @p0 $0x11B8D, s6;
	s7 =	sshll.u32 @p0 s5, $0x11  }
0xaa: {  	s6 =	sor.u32 @p0 s7, s6  }
0xab: {  	[sflag:s6] =	ssyncadd.remote.s32 @p0 $0x1;
	_ =	sdelay $0x1  }
0xac: {  	s6 =	simm.s32 @p0 $0x1B8D  }
0xad: {  	_ =	swait.eq @p0 [sflag:s6], $0x1  }
0xae: {  	[sflag:s6] =	ssyncadd.s32 @p0 $0xFFFFFFFF  }
0xaf: {  	s7 =	sshll.u32 @!p0 s1, $0xE  }
0xb0: {  	s7 =	sor.u32 @!p0 $0x4000, s7;
	s6 =	simm.s32 @!p0 $0x1B8D  }
0xb1: {  	s5 =	sshll.u32 @!p0 s5, $0x11;
	s7 =	sadd.s32 @!p0 $0x11B8D, s7;
	_ =	swait.eq @!p0 [sflag:s6], $0x1  }
0xb2: {  	s5 =	sor.u32 @!p0 s5, s7;
	[sflag:s6] =	ssyncadd.s32 @!p0 $0xFFFFFFFF  }
0xb3: {  	s25 =	simm.s32 $0x1B8E;
	s24 =	sld [smem:$0x3FFE];
	[sflag:s5] =	ssyncadd.remote.s32 @!p0 $0x1  }
0xb4: {  	s26 =	simm.s32 $execute0_lowered;
	[smem:$0x3FD2] =	sst s25  }
0xb5: {  	s6 =	sshll.u32 s26, $0x1;
	_ =	strace $0x80000049;
	[dreg:$0x1] =	wrdreg $0xFFFFFFFF  }
0xb6: {  	s28 =	simm.s32 $_size_execute0_lowered;
	s4 =	sadd.s32 s4, s6;
	[dreg:$0x0] =	wrdreg $0x0  }
0xb7: {  	s6 =	sshll.u32 s28, $0x1;
	[dreg:$0x2] =	wrdreg s4  }
0xb8: {  	[dreg:$0x3] =	wrdreg s6  }
0xb9: {  	[dreg:$0x4] =	wrdreg $0xC0  }
0xba: {  	_ =	task [dreg:s22], $0x5FFFF  }
0xbb: {  	[dreg:$0x1] =	wrdreg $0xFFFFFFFF  }
0xbc: {  	[dreg:$0x0] =	wrdreg $0x60  }
0xbd: {  	[dreg:$0x2] =	wrdreg s18  }
0xbe: {  	[dreg:$0x3] =	wrdreg s24  }
0xbf: {  	[dreg:$0x4] =	wrdreg $0x9  }
0xc0: {  	_ =	task.clear_ibuf [dreg:s22], $0x5FFFF;
	_ =	strace $0x90000049  }
0xc1: {  	s29 =	simm.s32 $0x9;
	_ =	strace $0x8000004B  }
0xc2: {  	_ =	swait.ge [sflag:s29], $0x1  }
0xc3: {  	[sflag:s29] =	ssyncadd.s32 $0xFFFFFFFF  }
0xc4: {  	_ =	strace $0x9000004B  }
0xc5: {  	_ =	sfence  }
0xc6: {  	s30 =	sld [smem:$0x0];
	_ =	sdelay $0x2  }
0xc7: {  	s31 =	sshll.u32 s1, $0xD;
	s1 =	sshrl.u32 s1, $0x2  }
0xc8: {  	s4 =	sand.u32 $0x4000, s31;
	s1 =	sadd.s32 s1, s30  }
0xc9: {  	s0 =	sor.u32 s4, s0;
	s1 =	sshll.u32 s1, $0x11  }
0xca: {  	s0 =	sor.u32 s1, s0  }
0xcb: {  	s0 =	sadd.s32 $0x8F2B, s0  }
0xcc: {  	[sflag:s0] =	ssyncadd.remote.s32 $0x1  }
0xcd: {  	_ =	sfence.sel $0xFFFF  }
0xce: {  	[dreg:$0x0] =	wrdreg $0xFFFFFFFF;
	(pc) =	sbr.abs _section_cstart, $3  }
0xcf: {  	[dreg:$0x1] =	wrdreg $0xFFFFFFFF  }
0xd0: {  	_ =	task.clear_ibuf [dreg:s22], $0x2FFFF;
	_ =	strace $0x9FFFFFFF  }
0xd1: {  	(tm) =	ssettm $0x7FFFFFFF  }
tec
execute0_lowered:
.L_overlay_start_1:
0x0: {  	(tag) =	ssettag $0x1  }
0x1: {  	s1 =	srdreg.scid;
	s0 =	stileid.u32  }
0x2: {  	s1 =	sand.u32 $0x1, s1;
	s3 =	sshll.u32 s0, $0x1  }
0x3: {  	s7 =	sor.u32 s1, s3  }
0x4: {  	s2 =	rddreg [dreg:$0x0];
	s5 =	smul.u32 $0xC0, s7  }
0x5: {  	s4 =	rddreg [dreg:$0x1];
	s6 =	smul.u32 $0x6000, s7  }
0x6: {  	s9 =	sadd.s32 $0xC6200, s4;
	s3 =	simm.s32 $0x0;
	s5 =	sadd.s32 s5, s4  }
0x7: {  	[smem:$0x7FF] =	sst s3;
	s31 =	sadd.s32 s9, s6;
	s5 =	sadd.s32 $0xC4A00, s5  }
0x8: {  	_ =	strace $0x8000004A;
	s26 =	sadd.s32 $0x800, s31;
	[dreg:$0x3] =	wrdreg s5  }
0x9: {  	[dreg:$0x4] =	wrdreg s26  }
0xa: {  	s4 =	simm.s32 $0x3;
	s5 =	rddreg [dreg:$0x3]  }
0xb: {  	[tilespmem:s3], [sflag:$0x3] =	stream.linear.gather [hbm4b:s5+s3], $0x600, $0x38;
	[tilespmem:$0x8600] =	vst v63  }
0xc: {  	_ =	swait.ge [sflag:s4], $0x600  }
0xd: {  	[sflag:s4] =	ssyncset.done $0x0  }
0xe: {  	s6 =	simm.s32 $0x600;
	s5 =	simm.s32 $0x80;
	[sflag:s4] =	ssyncadd.s32 $0xFFFFFA00  }
0xf: {  	[tilespmem:s6], [sflag:$0x1] =	stream.indirect.gather [hbm4b:s2+s5], $0x80, s3, s5, $0xb8;
	[tilespmem:$0x8600] =	vst v63  }
0x10: {  	s8 =	simm.s32 $0x1;
	s10 =	smul.u32 $0x30000, s7;
	s7 =	simm.s32 $0x4600  }
0x11: {  	[tilespmem:s7], [sflag:$0x2] =	stream.indirect.gather [hbm4b:s2+s5], $0x80, s5, s5, $0xb8;
	[tilespmem:$0x8600] =	vst v63  }
0x12: {  	_ =	swait.ge [sflag:s8], $0x4000  }
0x13: {  	s10 =	sshrl.u32 s10, $0x3;
	[sflag:s8] =	ssyncset.done $0x0  }
0x14: {  	s9 =	sadd.s32 s9, s10;
	[sflag:s8] =	ssyncadd.s32 $0xFFFFC000  }
0x15: {  	[hbm4b:s9+s3] =	stream.linear.scatter [tilespmem:s6], [sflag:$0x3], $0x4000, $0x38;
	[tilespmem:$0x8600] =	vst v63  }
0x16: {  	_ =	swait.ge [sflag:s4], $0x4000  }
0x17: {  	[sflag:s4] =	ssyncset.done $0x0  }
0x18: {  	s11 =	simm.s32 $0x2;
	s10 =	simm.s32 $0x100;
	[sflag:s4] =	ssyncadd.s32 $0xFFFFC000  }
0x19: {  	[tilespmem:s6], [sflag:$0x1] =	stream.indirect.gather [hbm4b:s2+s5], $0x80, s10, s5, $0xb8;
	[tilespmem:$0x8600] =	vst v63  }
0x1a: {  	_ =	swait.ge [sflag:s11], $0x4000  }
0x1b: {  	[sflag:s11] =	ssyncset.done $0x0  }
0x1c: {  	s12 =	rddreg [dreg:$0x4];
	[sflag:s11] =	ssyncadd.s32 $0xFFFFC000  }
0x1d: {  	[hbm4b:s12+s3] =	stream.linear.scatter [tilespmem:s7], [sflag:$0x3], $0x4000, $0x38;
	[tilespmem:$0x8600] =	vst v63  }
0x1e: {  	_ =	swait.ge [sflag:s4], $0x4000  }
0x1f: {  	[sflag:s4] =	ssyncset.done $0x0  }
0x20: {  	s12 =	simm.s32 $0x180;
	[sflag:s4] =	ssyncadd.s32 $0xFFFFC000  }
0x21: {  	[tilespmem:s7], [sflag:$0x2] =	stream.indirect.gather [hbm4b:s2+s5], $0x80, s12, s5, $0xb8;
	[tilespmem:$0x8600] =	vst v63  }
0x22: {  	_ =	swait.ge [sflag:s8], $0x4000  }
0x23: {  	[sflag:s8] =	ssyncset.done $0x0  }
0x24: {  	s13 =	sadd.s32 $0x1000, s9;
	[sflag:s8] =	ssyncadd.s32 $0xFFFFC000  }
0x25: {  	[hbm4b:s13+s3] =	stream.linear.scatter [tilespmem:s6], [sflag:$0x3], $0x4000, $0x38;
	[tilespmem:$0x8600] =	vst v63  }
0x26: {  	_ =	swait.ge [sflag:s4], $0x4000  }
0x27: {  	[sflag:s4] =	ssyncset.done $0x0  }
0x28: {  	s14 =	simm.s32 $0x200;
	[sflag:s4] =	ssyncadd.s32 $0xFFFFC000  }
0x29: {  	[tilespmem:s6], [sflag:$0x1] =	stream.indirect.gather [hbm4b:s2+s5], $0x80, s14, s5, $0xb8;
	[tilespmem:$0x8600] =	vst v63  }
0x2a: {  	_ =	swait.ge [sflag:s11], $0x4000  }
0x2b: {  	[sflag:s11] =	ssyncset.done $0x0  }
0x2c: {  	s15 =	sadd.s32 $0x1800, s31;
	[sflag:s11] =	ssyncadd.s32 $0xFFFFC000  }
0x2d: {  	[hbm4b:s15+s3] =	stream.linear.scatter [tilespmem:s7], [sflag:$0x3], $0x4000, $0x38;
	[tilespmem:$0x8600] =	vst v63  }
0x2e: {  	_ =	swait.ge [sflag:s4], $0x4000  }
0x2f: {  	[sflag:s4] =	ssyncset.done $0x0  }
0x30: {  	s16 =	simm.s32 $0x280;
	[sflag:s4] =	ssyncadd.s32 $0xFFFFC000  }
0x31: {  	[tilespmem:s7], [sflag:$0x2] =	stream.indirect.gather [hbm4b:s2+s5], $0x80, s16, s5, $0xb8;
	[tilespmem:$0x8600] =	vst v63  }
0x32: {  	_ =	swait.ge [sflag:s8], $0x4000  }
0x33: {  	[sflag:s8] =	ssyncset.done $0x0  }
0x34: {  	s17 =	sadd.s32 $0x2000, s9;
	[sflag:s8] =	ssyncadd.s32 $0xFFFFC000  }
0x35: {  	[hbm4b:s17+s3] =	stream.linear.scatter [tilespmem:s6], [sflag:$0x3], $0x4000, $0x38;
	[tilespmem:$0x8600] =	vst v63  }
0x36: {  	_ =	swait.ge [sflag:s4], $0x4000  }
0x37: {  	[sflag:s4] =	ssyncset.done $0x0  }
0x38: {  	s18 =	simm.s32 $0x300;
	[sflag:s4] =	ssyncadd.s32 $0xFFFFC000  }
0x39: {  	[tilespmem:s6], [sflag:$0x1] =	stream.indirect.gather [hbm4b:s2+s5], $0x80, s18, s5, $0xb8;
	[tilespmem:$0x8600] =	vst v63  }
0x3a: {  	_ =	swait.ge [sflag:s11], $0x4000  }
0x3b: {  	[sflag:s11] =	ssyncset.done $0x0  }
0x3c: {  	s19 =	sadd.s32 $0x2800, s31;
	[sflag:s11] =	ssyncadd.s32 $0xFFFFC000  }
0x3d: {  	[hbm4b:s19+s3] =	stream.linear.scatter [tilespmem:s7], [sflag:$0x3], $0x4000, $0x38;
	[tilespmem:$0x8600] =	vst v63  }
0x3e: {  	_ =	swait.ge [sflag:s4], $0x4000  }
0x3f: {  	[sflag:s4] =	ssyncset.done $0x0  }
0x40: {  	s20 =	simm.s32 $0x380;
	[sflag:s4] =	ssyncadd.s32 $0xFFFFC000  }
0x41: {  	[tilespmem:s7], [sflag:$0x2] =	stream.indirect.gather [hbm4b:s2+s5], $0x80, s20, s5, $0xb8;
	[tilespmem:$0x8600] =	vst v63  }
0x42: {  	_ =	swait.ge [sflag:s8], $0x4000  }
0x43: {  	[sflag:s8] =	ssyncset.done $0x0  }
0x44: {  	s21 =	sadd.s32 $0x3000, s9;
	[sflag:s8] =	ssyncadd.s32 $0xFFFFC000  }
0x45: {  	[hbm4b:s21+s3] =	stream.linear.scatter [tilespmem:s6], [sflag:$0x3], $0x4000, $0x38;
	[tilespmem:$0x8600] =	vst v63  }
0x46: {  	_ =	swait.ge [sflag:s4], $0x4000  }
0x47: {  	[sflag:s4] =	ssyncset.done $0x0  }
0x48: {  	s22 =	simm.s32 $0x400;
	[sflag:s4] =	ssyncadd.s32 $0xFFFFC000  }
0x49: {  	[tilespmem:s6], [sflag:$0x1] =	stream.indirect.gather [hbm4b:s2+s5], $0x80, s22, s5, $0xb8;
	[tilespmem:$0x8600] =	vst v63  }
0x4a: {  	_ =	swait.ge [sflag:s11], $0x4000  }
0x4b: {  	[sflag:s11] =	ssyncset.done $0x0  }
0x4c: {  	s23 =	sadd.s32 $0x3800, s31;
	[sflag:s11] =	ssyncadd.s32 $0xFFFFC000  }
0x4d: {  	[hbm4b:s23+s3] =	stream.linear.scatter [tilespmem:s7], [sflag:$0x3], $0x4000, $0x38;
	[tilespmem:$0x8600] =	vst v63  }
0x4e: {  	_ =	swait.ge [sflag:s4], $0x4000  }
0x4f: {  	[sflag:s4] =	ssyncset.done $0x0  }
0x50: {  	s24 =	simm.s32 $0x480;
	[sflag:s4] =	ssyncadd.s32 $0xFFFFC000  }
0x51: {  	[tilespmem:s7], [sflag:$0x2] =	stream.indirect.gather [hbm4b:s2+s5], $0x80, s24, s5, $0xb8;
	[tilespmem:$0x8600] =	vst v63  }
0x52: {  	_ =	swait.ge [sflag:s8], $0x4000  }
0x53: {  	[sflag:s8] =	ssyncset.done $0x0  }
0x54: {  	s25 =	sadd.s32 $0x4000, s9;
	[sflag:s8] =	ssyncadd.s32 $0xFFFFC000  }
0x55: {  	[hbm4b:s25+s3] =	stream.linear.scatter [tilespmem:s6], [sflag:$0x3], $0x4000, $0x38;
	[tilespmem:$0x8600] =	vst v63  }
0x56: {  	_ =	swait.ge [sflag:s4], $0x4000  }
0x57: {  	[sflag:s4] =	ssyncset.done $0x0  }
0x58: {  	s26 =	simm.s32 $0x500;
	[sflag:s4] =	ssyncadd.s32 $0xFFFFC000  }
0x59: {  	[tilespmem:s6], [sflag:$0x1] =	stream.indirect.gather [hbm4b:s2+s5], $0x80, s26, s5, $0xb8;
	[tilespmem:$0x8600] =	vst v63  }
0x5a: {  	_ =	swait.ge [sflag:s11], $0x4000  }
0x5b: {  	[sflag:s11] =	ssyncset.done $0x0  }
0x5c: {  	s28 =	sadd.s32 $0x4800, s31;
	[sflag:s11] =	ssyncadd.s32 $0xFFFFC000  }
0x5d: {  	[hbm4b:s28+s3] =	stream.linear.scatter [tilespmem:s7], [sflag:$0x3], $0x4000, $0x38;
	[tilespmem:$0x8600] =	vst v63  }
0x5e: {  	_ =	swait.ge [sflag:s4], $0x4000  }
0x5f: {  	[sflag:s4] =	ssyncset.done $0x0  }
0x60: {  	s29 =	simm.s32 $0x580;
	[sflag:s4] =	ssyncadd.s32 $0xFFFFC000  }
0x61: {  	[tilespmem:s7], [sflag:$0x2] =	stream.indirect.gather [hbm4b:s2+s5], $0x80, s29, s5, $0xb8;
	[tilespmem:$0x8600] =	vst v63  }
0x62: {  	_ =	swait.ge [sflag:s8], $0x4000  }
0x63: {  	s1 =	ssub.s32 $0x2, s1;
	[sflag:s8] =	ssyncset.done $0x0  }
0x64: {  	s0 =	sshrl.u32 s1, $0x1;
	s30 =	sadd.s32 $0x5000, s9;
	[sflag:s8] =	ssyncadd.s32 $0xFFFFC000  }
0x65: {  	[hbm4b:s30+s3] =	stream.linear.scatter [tilespmem:s6], [sflag:$0x3], $0x4000, $0x38;
	[tilespmem:$0x8600] =	vst v63  }
0x66: {  	s0 =	ssub.s32 s1, s0;
	_ =	swait.ge [sflag:s4], $0x4000  }
0x67: {  	s0 =	smax.u32 s0, $0x1;
	[sflag:s4] =	ssyncset.done $0x0  }
0x68: {  	p0 =	sne.s32 s0, $0x1;
	[sflag:s4] =	ssyncadd.s32 $0xFFFFC000  }
.Ltmp0:
0x69: {  	_ =	swait.ge [sflag:s11], $0x4000;
	(pc) =	sbr.rel @!p0 .LBB2_2-.Ltmp0, $4  }
0x6a: {  	[sflag:s11] =	ssyncset.done $0x0  }
0x6b: {  	s31 =	sadd.s32 $0x5800, s31;
	[sflag:s11] =	ssyncadd.s32 $0xFFFFC000  }
0x6c: {  	[hbm4b:s31+s3] =	stream.linear.scatter [tilespmem:s7], [sflag:$0x3], $0x4000, $0x38;
	[tilespmem:$0x8600] =	vst v63  }
0x6d: {  	s1 =	sadd.s32 $0xFFFFFFFF, s0;
	_ =	swait.ge [sflag:s4], $0x4000  }
.LBB2_1:
0x6e: {  	[sflag:s4] =	ssyncset.done $0x0  }
0x6f: {  	s0 =	rddreg [dreg:$0x3];
	[sflag:s4] =	ssyncadd.s32 $0xFFFFC000  }
0x70: {  	[tilespmem:s3], [sflag:$0x3] =	stream.linear.gather [hbm4b:s0+s3], $0x600, $0x38;
	[tilespmem:$0x8600] =	vst v63  }
0x71: {  	_ =	swait.ge [sflag:s4], $0x600  }
0x72: {  	[sflag:s4] =	ssyncset.done $0x0  }
0x73: {  	[sflag:s4] =	ssyncadd.s32 $0xFFFFFA00  }
0x74: {  	[tilespmem:s6], [sflag:$0x1] =	stream.indirect.gather [hbm4b:s2+s5], $0x80, s3, s5, $0xb8;
	[tilespmem:$0x8600] =	vst v63  }
0x75: {  	_ = 	snop  }
0x76: {  	[tilespmem:s7], [sflag:$0x2] =	stream.indirect.gather [hbm4b:s2+s5], $0x80, s5, s5, $0xb8;
	[tilespmem:$0x8600] =	vst v63  }
0x77: {  	_ =	swait.ge [sflag:s8], $0x4000  }
0x78: {  	[sflag:s8] =	ssyncset.done $0x0  }
0x79: {  	[sflag:s8] =	ssyncadd.s32 $0xFFFFC000  }
0x7a: {  	[hbm4b:s9+s3] =	stream.linear.scatter [tilespmem:s6], [sflag:$0x3], $0x4000, $0x38;
	[tilespmem:$0x8600] =	vst v63  }
0x7b: {  	_ =	swait.ge [sflag:s4], $0x4000  }
0x7c: {  	[sflag:s4] =	ssyncset.done $0x0  }
0x7d: {  	[sflag:s4] =	ssyncadd.s32 $0xFFFFC000  }
0x7e: {  	[tilespmem:s6], [sflag:$0x1] =	stream.indirect.gather [hbm4b:s2+s5], $0x80, s10, s5, $0xb8;
	[tilespmem:$0x8600] =	vst v63  }
0x7f: {  	_ =	swait.ge [sflag:s11], $0x4000  }
0x80: {  	[sflag:s11] =	ssyncset.done $0x0  }
0x81: {  	s0 =	rddreg [dreg:$0x4];
	[sflag:s11] =	ssyncadd.s32 $0xFFFFC000  }
0x82: {  	[hbm4b:s0+s3] =	stream.linear.scatter [tilespmem:s7], [sflag:$0x3], $0x4000, $0x38;
	[tilespmem:$0x8600] =	vst v63  }
0x83: {  	_ =	swait.ge [sflag:s4], $0x4000  }
0x84: {  	[sflag:s4] =	ssyncset.done $0x0  }
0x85: {  	[sflag:s4] =	ssyncadd.s32 $0xFFFFC000  }
0x86: {  	[tilespmem:s7], [sflag:$0x2] =	stream.indirect.gather [hbm4b:s2+s5], $0x80, s12, s5, $0xb8;
	[tilespmem:$0x8600] =	vst v63  }
0x87: {  	_ =	swait.ge [sflag:s8], $0x4000  }
0x88: {  	[sflag:s8] =	ssyncset.done $0x0  }
0x89: {  	[sflag:s8] =	ssyncadd.s32 $0xFFFFC000  }
0x8a: {  	[hbm4b:s13+s3] =	stream.linear.scatter [tilespmem:s6], [sflag:$0x3], $0x4000, $0x38;
	[tilespmem:$0x8600] =	vst v63  }
0x8b: {  	_ =	swait.ge [sflag:s4], $0x4000  }
0x8c: {  	[sflag:s4] =	ssyncset.done $0x0  }
0x8d: {  	[sflag:s4] =	ssyncadd.s32 $0xFFFFC000  }
0x8e: {  	[tilespmem:s6], [sflag:$0x1] =	stream.indirect.gather [hbm4b:s2+s5], $0x80, s14, s5, $0xb8;
	[tilespmem:$0x8600] =	vst v63  }
0x8f: {  	_ =	swait.ge [sflag:s11], $0x4000  }
0x90: {  	[sflag:s11] =	ssyncset.done $0x0  }
0x91: {  	[sflag:s11] =	ssyncadd.s32 $0xFFFFC000  }
0x92: {  	[hbm4b:s15+s3] =	stream.linear.scatter [tilespmem:s7], [sflag:$0x3], $0x4000, $0x38;
	[tilespmem:$0x8600] =	vst v63  }
0x93: {  	_ =	swait.ge [sflag:s4], $0x4000  }
0x94: {  	[sflag:s4] =	ssyncset.done $0x0  }
0x95: {  	[sflag:s4] =	ssyncadd.s32 $0xFFFFC000  }
0x96: {  	[tilespmem:s7], [sflag:$0x2] =	stream.indirect.gather [hbm4b:s2+s5], $0x80, s16, s5, $0xb8;
	[tilespmem:$0x8600] =	vst v63  }
0x97: {  	_ =	swait.ge [sflag:s8], $0x4000  }
0x98: {  	[sflag:s8] =	ssyncset.done $0x0  }
0x99: {  	[sflag:s8] =	ssyncadd.s32 $0xFFFFC000  }
0x9a: {  	[hbm4b:s17+s3] =	stream.linear.scatter [tilespmem:s6], [sflag:$0x3], $0x4000, $0x38;
	[tilespmem:$0x8600] =	vst v63  }
0x9b: {  	_ =	swait.ge [sflag:s4], $0x4000  }
0x9c: {  	[sflag:s4] =	ssyncset.done $0x0  }
0x9d: {  	[sflag:s4] =	ssyncadd.s32 $0xFFFFC000  }
0x9e: {  	[tilespmem:s6], [sflag:$0x1] =	stream.indirect.gather [hbm4b:s2+s5], $0x80, s18, s5, $0xb8;
	[tilespmem:$0x8600] =	vst v63  }
0x9f: {  	_ =	swait.ge [sflag:s11], $0x4000  }
0xa0: {  	[sflag:s11] =	ssyncset.done $0x0  }
0xa1: {  	[sflag:s11] =	ssyncadd.s32 $0xFFFFC000  }
0xa2: {  	[hbm4b:s19+s3] =	stream.linear.scatter [tilespmem:s7], [sflag:$0x3], $0x4000, $0x38;
	[tilespmem:$0x8600] =	vst v63  }
0xa3: {  	_ =	swait.ge [sflag:s4], $0x4000  }
0xa4: {  	[sflag:s4] =	ssyncset.done $0x0  }
0xa5: {  	[sflag:s4] =	ssyncadd.s32 $0xFFFFC000  }
0xa6: {  	[tilespmem:s7], [sflag:$0x2] =	stream.indirect.gather [hbm4b:s2+s5], $0x80, s20, s5, $0xb8;
	[tilespmem:$0x8600] =	vst v63  }
0xa7: {  	_ =	swait.ge [sflag:s8], $0x4000  }
0xa8: {  	[sflag:s8] =	ssyncset.done $0x0  }
0xa9: {  	[sflag:s8] =	ssyncadd.s32 $0xFFFFC000  }
0xaa: {  	[hbm4b:s21+s3] =	stream.linear.scatter [tilespmem:s6], [sflag:$0x3], $0x4000, $0x38;
	[tilespmem:$0x8600] =	vst v63  }
0xab: {  	_ =	swait.ge [sflag:s4], $0x4000  }
0xac: {  	[sflag:s4] =	ssyncset.done $0x0  }
0xad: {  	[sflag:s4] =	ssyncadd.s32 $0xFFFFC000  }
0xae: {  	[tilespmem:s6], [sflag:$0x1] =	stream.indirect.gather [hbm4b:s2+s5], $0x80, s22, s5, $0xb8;
	[tilespmem:$0x8600] =	vst v63  }
0xaf: {  	_ =	swait.ge [sflag:s11], $0x4000  }
0xb0: {  	[sflag:s11] =	ssyncset.done $0x0  }
0xb1: {  	[sflag:s11] =	ssyncadd.s32 $0xFFFFC000  }
0xb2: {  	[hbm4b:s23+s3] =	stream.linear.scatter [tilespmem:s7], [sflag:$0x3], $0x4000, $0x38;
	[tilespmem:$0x8600] =	vst v63  }
0xb3: {  	_ =	swait.ge [sflag:s4], $0x4000  }
0xb4: {  	[sflag:s4] =	ssyncset.done $0x0  }
0xb5: {  	[sflag:s4] =	ssyncadd.s32 $0xFFFFC000  }
0xb6: {  	[tilespmem:s7], [sflag:$0x2] =	stream.indirect.gather [hbm4b:s2+s5], $0x80, s24, s5, $0xb8;
	[tilespmem:$0x8600] =	vst v63  }
0xb7: {  	_ =	swait.ge [sflag:s8], $0x4000  }
0xb8: {  	[sflag:s8] =	ssyncset.done $0x0  }
0xb9: {  	[sflag:s8] =	ssyncadd.s32 $0xFFFFC000  }
0xba: {  	[hbm4b:s25+s3] =	stream.linear.scatter [tilespmem:s6], [sflag:$0x3], $0x4000, $0x38;
	[tilespmem:$0x8600] =	vst v63  }
0xbb: {  	_ =	swait.ge [sflag:s4], $0x4000  }
0xbc: {  	[sflag:s4] =	ssyncset.done $0x0  }
0xbd: {  	[sflag:s4] =	ssyncadd.s32 $0xFFFFC000  }
0xbe: {  	[tilespmem:s6], [sflag:$0x1] =	stream.indirect.gather [hbm4b:s2+s5], $0x80, s26, s5, $0xb8;
	[tilespmem:$0x8600] =	vst v63  }
0xbf: {  	_ =	swait.ge [sflag:s11], $0x4000  }
0xc0: {  	[sflag:s11] =	ssyncset.done $0x0  }
0xc1: {  	[sflag:s11] =	ssyncadd.s32 $0xFFFFC000  }
0xc2: {  	[hbm4b:s28+s3] =	stream.linear.scatter [tilespmem:s7], [sflag:$0x3], $0x4000, $0x38;
	[tilespmem:$0x8600] =	vst v63  }
0xc3: {  	_ =	swait.ge [sflag:s4], $0x4000  }
0xc4: {  	[sflag:s4] =	ssyncset.done $0x0  }
0xc5: {  	[sflag:s4] =	ssyncadd.s32 $0xFFFFC000  }
0xc6: {  	[tilespmem:s7], [sflag:$0x2] =	stream.indirect.gather [hbm4b:s2+s5], $0x80, s29, s5, $0xb8;
	[tilespmem:$0x8600] =	vst v63  }
0xc7: {  	_ =	swait.ge [sflag:s8], $0x4000  }
0xc8: {  	[sflag:s8] =	ssyncset.done $0x0  }
0xc9: {  	[sflag:s8] =	ssyncadd.s32 $0xFFFFC000  }
0xca: {  	[hbm4b:s30+s3] =	stream.linear.scatter [tilespmem:s6], [sflag:$0x3], $0x4000, $0x38;
	[tilespmem:$0x8600] =	vst v63  }
0xcb: {  	_ =	swait.ge [sflag:s4], $0x4000  }
0xcc: {  	[sflag:s4] =	ssyncset.done $0x0  }
0xcd: {  	p0 =	sne.s32 s1, $0x1;
	[sflag:s4] =	ssyncadd.s32 $0xFFFFC000  }
.Ltmp1:
0xce: {  	_ =	swait.ge [sflag:s11], $0x4000;
	(pc) =	sbr.rel @p0 .LBB2_1-.Ltmp1, $4  }
0xcf: {  	[sflag:s11] =	ssyncset.done $0x0  }
0xd0: {  	[sflag:s11] =	ssyncadd.s32 $0xFFFFC000  }
0xd1: {  	[hbm4b:s31+s3] =	stream.linear.scatter [tilespmem:s7], [sflag:$0x3], $0x4000, $0x38;
	[tilespmem:$0x8600] =	vst v63  }
0xd2: {  	s1 =	sadd.s32 $0xFFFFFFFF, s1;
	_ =	swait.ge [sflag:s4], $0x4000  }
.LBB2_2:
0xd3: {  	[sflag:s4] =	ssyncset.done $0x0  }
0xd4: {  	[sflag:s4] =	ssyncadd.s32 $0xFFFFC000  }
0xd5: {  	_ =	sfence.sel $0x180000  }
0xd6: {  	[bflag:$0x0] =	sbarrier.arrive $0xFFFF  }
0xd7: {  	_ =	strace $0x9000004A  }
0xd8: {  	s0 =	stileid.u32;
	[bflag:$0x2] =	sbarrier.arrive $0xFFFF  }
0xd9: {  	p0 =	sne.s32 s0, $0x0;
	s0 =	rddreg [dreg:$0x2]  }
0xda: {  	s0 =	sadd.s32 @!p0 $0x100000, s0  }
0xdb: {  	[sflag:s0] =	ssyncadd.tile.s32 @!p0 $0x1;
	_ =	shalt  }
.Lfunc_end2:
_tile_overlayer_lowered:
.L_overlay_start_2:
0xdc: {  	(tag) =	ssettag $0x2  }
0xdd: {  	s0 =	rddreg [dreg:$0x0];
	s2 =	stileid.u32  }
0xde: {  	s1 =	rddreg [dreg:$0x1];
	p0 =	sne.s32 s2, $0x0  }
0xdf: {  	s3 =	rddreg [dreg:$0x2];
	[bflag:$0x3] =	sbarrier.arrive $0xFFFF;
	s2 =	simm.s32 @!p0 $0x1C03  }
0xe0: {  	[timem:s3], [sflag:s2] =	dma.local @!p0 [hbm:s0], s1  }
0xe1: {  	s0 =	simm.s32 @!p0 $0x3  }
0xe2: {  	_ =	swait.ge @!p0 [sflag:s0], s1  }
0xe3: {  	s1 =	ssub.s32 @!p0 $0x0, s1;
	[sflag:s0] =	ssyncset.done @!p0 $0x0  }
0xe4: {  	[sflag:s0] =	ssyncadd.s32 @!p0 s1  }
0xe5: {  	[bflag:$0x3] =	sbarrier.arrive $0xFFFF  }
0xe6: {  	_ =	shalt  }

// kernel: kernel.13.cloned.1.call-start
scs
__scs_entry_jumppad:
0x0: {  	(pc) =	sbr.rel $0x88, $3  }
0x1: {  	(tag) =	ssettag $0x0;
	lr =	simm.s32 $0x1  }
0x2: {  	[smem:$0x3F95] =	sst lr;
	_ =	strace $0xD0000000  }
0x3: {  	_ = 	snop  }
0x4: {  	_ = 	snop  }
0x5: {  	_ = 	snop  }
0x6: {  	_ = 	snop  }
0x7: {  	_ = 	snop  }
__scs_overlays_trampoline_lowered:
0x8: {  	[smem:$0x3FA4] =	sst s0  }
0x9: {  	[smem:$0x3FA5] =	sst s1  }
0xa: {  	[smem:$0x3FA6] =	sst s2  }
0xb: {  	[smem:$0x3FA7] =	sst s3  }
0xc: {  	[smem:$0x3FA8] =	sst s4  }
0xd: {  	[smem:$0x3FA9] =	sst s5  }
0xe: {  	[smem:$0x3FAA] =	sst s6  }
0xf: {  	[smem:$0x3FAB] =	sst s7  }
0x10: {  	[smem:$0x3FAC] =	sst s8  }
0x11: {  	[smem:$0x3FAD] =	sst s9;
	s0 =	simm.s32 @!p0 $0x0  }
0x12: {  	s1 =	sld [smem:$0x3F93];
	s0 =	simm.s32 @p0 $0x1  }
0x13: {  	[smem:$0x3FAE] =	sst s0;
	s0 =	simm.s32 @!p1 $0x0  }
0x14: {  	s2 =	sld [smem:$0x3F92];
	s0 =	simm.s32 @p1 $0x1  }
0x15: {  	[smem:$0x3FAF] =	sst s0;
	s0 =	simm.s32 @!p2 $0x0  }
0x16: {  	s3 =	sld [smem:$0x3FDB];
	s0 =	simm.s32 @p2 $0x1  }
0x17: {  	s4 =	simm.s32 $0x1BF5;
	[smem:$0x3FB1] =	sst s0  }
0x18: {  	s0 =	sld [smem:$0x3F94];
	_ =	swait.ge [sflag:s4], $0x0  }
0x19: {  	s7 =	sld [smem:$0x3F95]  }
0x1a: {  	s8 =	sadd.s32 $0xFFFFE003, lr  }
0x1b: {  	s9 =	sadd.s32 $0xFFFFFEF7, lr;
	s5 =	simm.s32 $0xFFFFFFFF;
	p2 =	slt.u32 s8, $0xFFFFF086  }
0x1c: {  	p1 =	slt.u32 s9, $0xF7A;
	s5 =	simm.s32 @!p2 $0x0  }
0x1d: {  	s5 =	simm.s32 @p1 $0x1;
	p0 =	seq.s32 s7, s2  }
0x1e: {  	s7 =	smul.u32 @!p0 $0xF7A, s2;
	p2 =	seq.s32 @!p0 s5, $0x0  }
0x1f: {  	s9 =	smul.u32 $0xF7A, s1;
	s8 =	simm.s32 @!p0 $0x1BF5;
	p2 =	por !p2, p0  }
0x20: {  	[sflag:s8] =	ssyncset.s32 @!p0 $0xFFFFF086;
	s6 =	sadd.s32 @!p0 s3, s7;
	s7 =	simm.s32 @!p0 $0x108  }
0x21: {  	s3 =	sadd.s32 s3, s9;
	s6 =	sadd.s32 @!p0 $0x88, s6;
	s7 =	simm.s32 @p2 $0x1082  }
0x22: {  	[simem:s7], [sflag:s8] =	dma.local @!p0 [hbm:s6], $0xF7A  }
0x23: {  	s9 =	sor.u32 $0xD0000000, s2;
	s6 =	simm.s32 $0x108;
	_ =	swait.ge @!p0 [sflag:s8], $0x0  }
0x24: {  	s3 =	sadd.s32 $0x88, s3;
	s6 =	simm.s32 @!p1 $0x1082;
	[sflag:s4] =	ssyncset.s32 $0xFFFFF086  }
0x25: {  	[simem:s6], [sflag:s4] =	dma.local [hbm:s3], $0xF7A  }
0x26: {  	[smem:$0x3F95] =	sst s1;
	(tag) =	ssettag s2;
	_ =	strace s9  }
0x27: {  	s1 =	sld [smem:$0x3FA5]  }
0x28: {  	s2 =	sld [smem:$0x3FA6]  }
0x29: {  	s4 =	sld [smem:$0x3FA8]  }
0x2a: {  	p0 =	seq.s32 s5, $0x0;
	s5 =	sld [smem:$0x3FA9]  }
0x2b: {  	s6 =	sld [smem:$0x3FAA]  }
0x2c: {  	s7 =	sld [smem:$0x3FAB]  }
0x2d: {  	s3 =	simm.s32 $0x108;
	s8 =	sld [smem:$0x3FAC]  }
0x2e: {  	s3 =	simm.s32 @!p0 $0x1082;
	s9 =	sld [smem:$0x3FAD]  }
0x2f: {  	lr =	sadd.s32 s0, s3;
	s0 =	sld [smem:$0x3FA4]  }
0x30: {  	s3 =	sld [smem:$0x3FA7]  }
0x31: {  	[smem:$0x3FB0] =	sst s10  }
0x32: {  	s10 =	sld [smem:$0x3FAE];
	_ =	sdelay $0x3  }
0x33: {  	p0 =	seq.s32 s10, $0x1;
	s10 =	sld [smem:$0x3FB0];
	_ =	sdelay $0x3  }
0x34: {  	[smem:$0x3FB0] =	sst s10  }
0x35: {  	s10 =	sld [smem:$0x3FAF];
	_ =	sdelay $0x3  }
0x36: {  	p1 =	seq.s32 s10, $0x1;
	s10 =	sld [smem:$0x3FB0];
	_ =	sdelay $0x3  }
0x37: {  	[smem:$0x3FB0] =	sst s10  }
0x38: {  	s10 =	sld [smem:$0x3FB1]  }
0x39: {  	_ = 	snop;
	(pc) =	sbr.ind lr, $3  }
0x3a: {  	_ = 	snop  }
0x3b: {  	_ = 	snop  }
0x3c: {  	p2 =	seq.s32 s10, $0x1;
	s10 =	sld [smem:$0x3FB0]  }
0x3d: {  	_ =	shalt  }
0x3e: {  	_ =	shalt  }
0x3f: {  	_ =	shalt  }
0x40: {  	_ =	shalt  }
0x41: {  	_ =	shalt  }
0x42: {  	_ =	shalt  }
0x43: {  	_ =	shalt  }
0x44: {  	_ =	shalt  }
0x45: {  	_ =	shalt  }
0x46: {  	_ =	shalt  }
0x47: {  	_ =	shalt  }
0x48: {  	_ =	shalt  }
0x49: {  	_ =	shalt  }
0x4a: {  	_ =	shalt  }
0x4b: {  	_ =	shalt  }
0x4c: {  	_ =	shalt  }
0x4d: {  	_ =	shalt  }
0x4e: {  	_ =	shalt  }
0x4f: {  	_ =	shalt  }
0x50: {  	_ =	shalt  }
0x51: {  	_ =	shalt  }
0x52: {  	_ =	shalt  }
0x53: {  	_ =	shalt  }
0x54: {  	_ =	shalt  }
0x55: {  	_ =	shalt  }
0x56: {  	_ =	shalt  }
0x57: {  	_ =	shalt  }
0x58: {  	_ =	shalt  }
0x59: {  	_ =	shalt  }
0x5a: {  	_ =	shalt  }
0x5b: {  	_ =	shalt  }
0x5c: {  	_ =	shalt  }
0x5d: {  	_ =	shalt  }
0x5e: {  	_ =	shalt  }
0x5f: {  	_ =	shalt  }
0x60: {  	_ =	shalt  }
0x61: {  	_ =	shalt  }
0x62: {  	_ =	shalt  }
0x63: {  	_ =	shalt  }
0x64: {  	_ =	shalt  }
0x65: {  	_ =	shalt  }
0x66: {  	_ =	shalt  }
0x67: {  	_ =	shalt  }
0x68: {  	_ =	shalt  }
0x69: {  	_ =	shalt  }
0x6a: {  	_ =	shalt  }
0x6b: {  	_ =	shalt  }
0x6c: {  	_ =	shalt  }
0x6d: {  	_ =	shalt  }
0x6e: {  	_ =	shalt  }
0x6f: {  	_ =	shalt  }
0x70: {  	_ =	shalt  }
0x71: {  	_ =	shalt  }
0x72: {  	_ =	shalt  }
0x73: {  	_ =	shalt  }
0x74: {  	_ =	shalt  }
0x75: {  	_ =	shalt  }
0x76: {  	_ =	shalt  }
0x77: {  	_ =	shalt  }
0x78: {  	_ =	shalt  }
0x79: {  	_ =	shalt  }
0x7a: {  	_ =	shalt  }
0x7b: {  	_ =	shalt  }
0x7c: {  	_ =	shalt  }
0x7d: {  	_ =	shalt  }
0x7e: {  	_ =	shalt  }
0x7f: {  	_ =	shalt  }
0x80: {  	_ =	shalt  }
0x81: {  	_ =	shalt  }
0x82: {  	_ =	shalt  }
0x83: {  	_ =	shalt  }
0x84: {  	_ =	shalt  }
0x85: {  	_ =	shalt  }
0x86: {  	_ =	shalt  }
0x87: {  	_ =	shalt  }
.Lfunc_end0:
.L_simem_size_0:
called_computation.1_lowered:
.L_overlay_start_0:
0x88: {  	s2 =	sld [smem:$0x3FD9]  }
0x89: {  	s3 =	sld [smem:$0x3FFE];
	_ =	sdelay $0x1  }
0x8a: {  	s1 =	srdreg.scid  }
0x8b: {  	s0 =	sand.u32 $0x1, s1  }
0x8c: {  	s17 =	sshll.u32 s0, $0xA;
	s2 =	sadd.s32 s3, s2  }
0x8d: {  	s2 =	sadd.s32 s2, s17  }
0x8e: {  	[smem:$0x3FBC] =	sst s2  }
0x8f: {  	_ = 	snop  }
0x90: {  	s2 =	sld [smem:$0x3FD0];
	(tm) =	ssettm $0x1  }
0x91: {  	s18 =	sld [smem:$0x3FFB];
	_ =	sdelay $0x3  }
0x92: {  	_ =	strace s18  }
0x93: {  	s3 =	sld [smem:$0x3FFC];
	_ =	sdelay $0x3  }
0x94: {  	_ =	strace s3  }
0x95: {  	s3 =	sld [smem:$0x3FFD];
	_ =	sdelay $0x3  }
0x96: {  	_ =	strace s3  }
0x97: {  	_ =	strace $0x8FFFFFFF  }
0x98: {  	s19 =	sld [smem:$0x3FDB];
	_ =	sdelay $0x1  }
0x99: {  	s4 =	simm.s32 $_scs_section_size  }
0x9a: {  	s5 =	simm.s32 $_size__tile_overlayer_lowered;
	s6 =	simm.s32 $_tile_overlayer_lowered  }
0x9b: {  	s22 =	simm.s32 $0x1BFF;
	s21 =	sshll.u32 s6, $0x1;
	s3 =	sadd.s32 s4, s19  }
0x9c: {  	s7 =	simm.s32 $0x0;
	s20 =	sshll.u32 s5, $0x1;
	s5 =	sadd.s32 s21, s3  }
0x9d: {  	[timem:s7], [sflag:s22] =	dma.local [hbm:s5], s20  }
0x9e: {  	_ =	swait.ge [sflag:s22], s20  }
0x9f: {  	s4 =	ssub.s32 $0x0, s20;
	[sflag:s22] =	ssyncset.done $0x0  }
0xa0: {  	[sflag:s22] =	ssyncadd.s32 s4;
	_ =	sdelay $0x1  }
0xa1: {  	s23 =	simm.s32 $0x1B8B  }
0xa2: {  	_ =	swait.ge [sflag:s23], $0x1  }
0xa3: {  	[sflag:s23] =	ssyncset.done $0x0  }
0xa4: {  	s25 =	simm.s32 $0x1B8E;
	s24 =	sld [smem:$0x3FFE];
	[sflag:s23] =	ssyncadd.s32 $0xFFFFFFFF  }
0xa5: {  	s26 =	simm.s32 $execute0_lowered;
	[smem:$0x3FD2] =	sst s25  }
0xa6: {  	s5 =	sshll.u32 s26, $0x1;
	_ =	strace $0x80000046;
	[dreg:$0x1] =	wrdreg $0xFFFFFFFF  }
0xa7: {  	s28 =	simm.s32 $_size_execute0_lowered;
	s3 =	sadd.s32 s3, s5;
	[dreg:$0x0] =	wrdreg $0x0  }
0xa8: {  	s5 =	sshll.u32 s28, $0x1;
	[dreg:$0x2] =	wrdreg s3  }
0xa9: {  	[dreg:$0x3] =	wrdreg s5  }
0xaa: {  	[dreg:$0x4] =	wrdreg $0xC0  }
0xab: {  	_ =	task [dreg:s7], $0x5FFFF  }
0xac: {  	[dreg:$0x1] =	wrdreg $0xFFFFFFFF  }
0xad: {  	[dreg:$0x0] =	wrdreg $0x60  }
0xae: {  	[dreg:$0x2] =	wrdreg s2  }
0xaf: {  	[dreg:$0x3] =	wrdreg s24  }
0xb0: {  	[dreg:$0x4] =	wrdreg $0xA  }
0xb1: {  	_ =	task.clear_ibuf [dreg:s7], $0x5FFFF;
	_ =	strace $0x90000046  }
0xb2: {  	s29 =	simm.s32 $0xA;
	_ =	strace $0x80000048  }
0xb3: {  	_ =	swait.ge [sflag:s29], $0x1  }
0xb4: {  	[sflag:s29] =	ssyncadd.s32 $0xFFFFFFFF  }
0xb5: {  	_ =	strace $0x90000048  }
0xb6: {  	_ =	sfence  }
0xb7: {  	s30 =	sld [smem:$0x0];
	_ =	sdelay $0x2  }
0xb8: {  	s31 =	sshll.u32 s1, $0xD;
	s1 =	sshrl.u32 s1, $0x2  }
0xb9: {  	s3 =	sand.u32 $0x4000, s31;
	s1 =	sadd.s32 s1, s30  }
0xba: {  	s0 =	sor.u32 s3, s0;
	s1 =	sshll.u32 s1, $0x11  }
0xbb: {  	s0 =	sor.u32 s1, s0  }
0xbc: {  	s0 =	sadd.s32 $0x8F2B, s0  }
0xbd: {  	[sflag:s0] =	ssyncadd.remote.s32 $0x1  }
0xbe: {  	_ =	sfence.sel $0xFFFF  }
0xbf: {  	[dreg:$0x0] =	wrdreg $0xFFFFFFFF;
	(pc) =	sbr.abs _section_cstart, $3  }
0xc0: {  	[dreg:$0x1] =	wrdreg $0xFFFFFFFF  }
0xc1: {  	_ =	task.clear_ibuf [dreg:s7], $0x2FFFF;
	_ =	strace $0x9FFFFFFF  }
0xc2: {  	(tm) =	ssettm $0x7FFFFFFF  }
0xc3: {  	_ =	shalt  }
tec
execute0_lowered:
.L_overlay_start_1:
0x0: {  	(tag) =	ssettag $0x1  }
0x1: {  	s1 =	srdreg.scid;
	s0 =	stileid.u32  }
0x2: {  	s1 =	sand.u32 $0x1, s1;
	s3 =	sshll.u32 s0, $0x1  }
0x3: {  	s7 =	sor.u32 s1, s3  }
0x4: {  	s2 =	rddreg [dreg:$0x0];
	s5 =	smul.u32 $0xC0, s7  }
0x5: {  	s4 =	rddreg [dreg:$0x1];
	s6 =	smul.u32 $0x6000, s7  }
0x6: {  	s9 =	sadd.s32 $0x4A00, s4;
	s3 =	simm.s32 $0x0;
	s5 =	sadd.s32 s5, s4  }
0x7: {  	[smem:$0x7FF] =	sst s3;
	s31 =	sadd.s32 s9, s6;
	s5 =	sadd.s32 $0x3200, s5  }
0x8: {  	_ =	strace $0x80000047;
	s26 =	sadd.s32 $0x800, s31;
	[dreg:$0x3] =	wrdreg s5  }
0x9: {  	[dreg:$0x4] =	wrdreg s26  }
0xa: {  	s4 =	simm.s32 $0x3;
	s5 =	rddreg [dreg:$0x3]  }
0xb: {  	[tilespmem:s3], [sflag:$0x3] =	stream.linear.gather [hbm4b:s5+s3], $0x600, $0x38;
	[tilespmem:$0x8600] =	vst v63  }
0xc: {  	_ =	swait.ge [sflag:s4], $0x600  }
0xd: {  	[sflag:s4] =	ssyncset.done $0x0  }
0xe: {  	s6 =	simm.s32 $0x600;
	s5 =	simm.s32 $0x80;
	[sflag:s4] =	ssyncadd.s32 $0xFFFFFA00  }
0xf: {  	[tilespmem:s6], [sflag:$0x1] =	stream.indirect.gather [hbm4b:s2+s5], $0x80, s3, s5, $0xb8;
	[tilespmem:$0x8600] =	vst v63  }
0x10: {  	s8 =	simm.s32 $0x1;
	s10 =	smul.u32 $0x30000, s7;
	s7 =	simm.s32 $0x4600  }
0x11: {  	[tilespmem:s7], [sflag:$0x2] =	stream.indirect.gather [hbm4b:s2+s5], $0x80, s5, s5, $0xb8;
	[tilespmem:$0x8600] =	vst v63  }
0x12: {  	_ =	swait.ge [sflag:s8], $0x4000  }
0x13: {  	s10 =	sshrl.u32 s10, $0x3;
	[sflag:s8] =	ssyncset.done $0x0  }
0x14: {  	s9 =	sadd.s32 s9, s10;
	[sflag:s8] =	ssyncadd.s32 $0xFFFFC000  }
0x15: {  	[hbm4b:s9+s3] =	stream.linear.scatter [tilespmem:s6], [sflag:$0x3], $0x4000, $0x38;
	[tilespmem:$0x8600] =	vst v63  }
0x16: {  	_ =	swait.ge [sflag:s4], $0x4000  }
0x17: {  	[sflag:s4] =	ssyncset.done $0x0  }
0x18: {  	s11 =	simm.s32 $0x2;
	s10 =	simm.s32 $0x100;
	[sflag:s4] =	ssyncadd.s32 $0xFFFFC000  }
0x19: {  	[tilespmem:s6], [sflag:$0x1] =	stream.indirect.gather [hbm4b:s2+s5], $0x80, s10, s5, $0xb8;
	[tilespmem:$0x8600] =	vst v63  }
0x1a: {  	_ =	swait.ge [sflag:s11], $0x4000  }
0x1b: {  	[sflag:s11] =	ssyncset.done $0x0  }
0x1c: {  	s12 =	rddreg [dreg:$0x4];
	[sflag:s11] =	ssyncadd.s32 $0xFFFFC000  }
0x1d: {  	[hbm4b:s12+s3] =	stream.linear.scatter [tilespmem:s7], [sflag:$0x3], $0x4000, $0x38;
	[tilespmem:$0x8600] =	vst v63  }
0x1e: {  	_ =	swait.ge [sflag:s4], $0x4000  }
0x1f: {  	[sflag:s4] =	ssyncset.done $0x0  }
0x20: {  	s12 =	simm.s32 $0x180;
	[sflag:s4] =	ssyncadd.s32 $0xFFFFC000  }
0x21: {  	[tilespmem:s7], [sflag:$0x2] =	stream.indirect.gather [hbm4b:s2+s5], $0x80, s12, s5, $0xb8;
	[tilespmem:$0x8600] =	vst v63  }
0x22: {  	_ =	swait.ge [sflag:s8], $0x4000  }
0x23: {  	[sflag:s8] =	ssyncset.done $0x0  }
0x24: {  	s13 =	sadd.s32 $0x1000, s9;
	[sflag:s8] =	ssyncadd.s32 $0xFFFFC000  }
0x25: {  	[hbm4b:s13+s3] =	stream.linear.scatter [tilespmem:s6], [sflag:$0x3], $0x4000, $0x38;
	[tilespmem:$0x8600] =	vst v63  }
0x26: {  	_ =	swait.ge [sflag:s4], $0x4000  }
0x27: {  	[sflag:s4] =	ssyncset.done $0x0  }
0x28: {  	s14 =	simm.s32 $0x200;
	[sflag:s4] =	ssyncadd.s32 $0xFFFFC000  }
0x29: {  	[tilespmem:s6], [sflag:$0x1] =	stream.indirect.gather [hbm4b:s2+s5], $0x80, s14, s5, $0xb8;
	[tilespmem:$0x8600] =	vst v63  }
0x2a: {  	_ =	swait.ge [sflag:s11], $0x4000  }
0x2b: {  	[sflag:s11] =	ssyncset.done $0x0  }
0x2c: {  	s15 =	sadd.s32 $0x1800, s31;
	[sflag:s11] =	ssyncadd.s32 $0xFFFFC000  }
0x2d: {  	[hbm4b:s15+s3] =	stream.linear.scatter [tilespmem:s7], [sflag:$0x3], $0x4000, $0x38;
	[tilespmem:$0x8600] =	vst v63  }
0x2e: {  	_ =	swait.ge [sflag:s4], $0x4000  }
0x2f: {  	[sflag:s4] =	ssyncset.done $0x0  }
0x30: {  	s16 =	simm.s32 $0x280;
	[sflag:s4] =	ssyncadd.s32 $0xFFFFC000  }
0x31: {  	[tilespmem:s7], [sflag:$0x2] =	stream.indirect.gather [hbm4b:s2+s5], $0x80, s16, s5, $0xb8;
	[tilespmem:$0x8600] =	vst v63  }
0x32: {  	_ =	swait.ge [sflag:s8], $0x4000  }
0x33: {  	[sflag:s8] =	ssyncset.done $0x0  }
0x34: {  	s17 =	sadd.s32 $0x2000, s9;
	[sflag:s8] =	ssyncadd.s32 $0xFFFFC000  }
0x35: {  	[hbm4b:s17+s3] =	stream.linear.scatter [tilespmem:s6], [sflag:$0x3], $0x4000, $0x38;
	[tilespmem:$0x8600] =	vst v63  }
0x36: {  	_ =	swait.ge [sflag:s4], $0x4000  }
0x37: {  	[sflag:s4] =	ssyncset.done $0x0  }
0x38: {  	s18 =	simm.s32 $0x300;
	[sflag:s4] =	ssyncadd.s32 $0xFFFFC000  }
0x39: {  	[tilespmem:s6], [sflag:$0x1] =	stream.indirect.gather [hbm4b:s2+s5], $0x80, s18, s5, $0xb8;
	[tilespmem:$0x8600] =	vst v63  }
0x3a: {  	_ =	swait.ge [sflag:s11], $0x4000  }
0x3b: {  	[sflag:s11] =	ssyncset.done $0x0  }
0x3c: {  	s19 =	sadd.s32 $0x2800, s31;
	[sflag:s11] =	ssyncadd.s32 $0xFFFFC000  }
0x3d: {  	[hbm4b:s19+s3] =	stream.linear.scatter [tilespmem:s7], [sflag:$0x3], $0x4000, $0x38;
	[tilespmem:$0x8600] =	vst v63  }
0x3e: {  	_ =	swait.ge [sflag:s4], $0x4000  }
0x3f: {  	[sflag:s4] =	ssyncset.done $0x0  }
0x40: {  	s20 =	simm.s32 $0x380;
	[sflag:s4] =	ssyncadd.s32 $0xFFFFC000  }
0x41: {  	[tilespmem:s7], [sflag:$0x2] =	stream.indirect.gather [hbm4b:s2+s5], $0x80, s20, s5, $0xb8;
	[tilespmem:$0x8600] =	vst v63  }
0x42: {  	_ =	swait.ge [sflag:s8], $0x4000  }
0x43: {  	[sflag:s8] =	ssyncset.done $0x0  }
0x44: {  	s21 =	sadd.s32 $0x3000, s9;
	[sflag:s8] =	ssyncadd.s32 $0xFFFFC000  }
0x45: {  	[hbm4b:s21+s3] =	stream.linear.scatter [tilespmem:s6], [sflag:$0x3], $0x4000, $0x38;
	[tilespmem:$0x8600] =	vst v63  }
0x46: {  	_ =	swait.ge [sflag:s4], $0x4000  }
0x47: {  	[sflag:s4] =	ssyncset.done $0x0  }
0x48: {  	s22 =	simm.s32 $0x400;
	[sflag:s4] =	ssyncadd.s32 $0xFFFFC000  }
0x49: {  	[tilespmem:s6], [sflag:$0x1] =	stream.indirect.gather [hbm4b:s2+s5], $0x80, s22, s5, $0xb8;
	[tilespmem:$0x8600] =	vst v63  }
0x4a: {  	_ =	swait.ge [sflag:s11], $0x4000  }
0x4b: {  	[sflag:s11] =	ssyncset.done $0x0  }
0x4c: {  	s23 =	sadd.s32 $0x3800, s31;
	[sflag:s11] =	ssyncadd.s32 $0xFFFFC000  }
0x4d: {  	[hbm4b:s23+s3] =	stream.linear.scatter [tilespmem:s7], [sflag:$0x3], $0x4000, $0x38;
	[tilespmem:$0x8600] =	vst v63  }
0x4e: {  	_ =	swait.ge [sflag:s4], $0x4000  }
0x4f: {  	[sflag:s4] =	ssyncset.done $0x0  }
0x50: {  	s24 =	simm.s32 $0x480;
	[sflag:s4] =	ssyncadd.s32 $0xFFFFC000  }
0x51: {  	[tilespmem:s7], [sflag:$0x2] =	stream.indirect.gather [hbm4b:s2+s5], $0x80, s24, s5, $0xb8;
	[tilespmem:$0x8600] =	vst v63  }
0x52: {  	_ =	swait.ge [sflag:s8], $0x4000  }
0x53: {  	[sflag:s8] =	ssyncset.done $0x0  }
0x54: {  	s25 =	sadd.s32 $0x4000, s9;
	[sflag:s8] =	ssyncadd.s32 $0xFFFFC000  }
0x55: {  	[hbm4b:s25+s3] =	stream.linear.scatter [tilespmem:s6], [sflag:$0x3], $0x4000, $0x38;
	[tilespmem:$0x8600] =	vst v63  }
0x56: {  	_ =	swait.ge [sflag:s4], $0x4000  }
0x57: {  	[sflag:s4] =	ssyncset.done $0x0  }
0x58: {  	s26 =	simm.s32 $0x500;
	[sflag:s4] =	ssyncadd.s32 $0xFFFFC000  }
0x59: {  	[tilespmem:s6], [sflag:$0x1] =	stream.indirect.gather [hbm4b:s2+s5], $0x80, s26, s5, $0xb8;
	[tilespmem:$0x8600] =	vst v63  }
0x5a: {  	_ =	swait.ge [sflag:s11], $0x4000  }
0x5b: {  	[sflag:s11] =	ssyncset.done $0x0  }
0x5c: {  	s28 =	sadd.s32 $0x4800, s31;
	[sflag:s11] =	ssyncadd.s32 $0xFFFFC000  }
0x5d: {  	[hbm4b:s28+s3] =	stream.linear.scatter [tilespmem:s7], [sflag:$0x3], $0x4000, $0x38;
	[tilespmem:$0x8600] =	vst v63  }
0x5e: {  	_ =	swait.ge [sflag:s4], $0x4000  }
0x5f: {  	[sflag:s4] =	ssyncset.done $0x0  }
0x60: {  	s29 =	simm.s32 $0x580;
	[sflag:s4] =	ssyncadd.s32 $0xFFFFC000  }
0x61: {  	[tilespmem:s7], [sflag:$0x2] =	stream.indirect.gather [hbm4b:s2+s5], $0x80, s29, s5, $0xb8;
	[tilespmem:$0x8600] =	vst v63  }
0x62: {  	_ =	swait.ge [sflag:s8], $0x4000  }
0x63: {  	s1 =	ssub.s32 $0x2, s1;
	[sflag:s8] =	ssyncset.done $0x0  }
0x64: {  	s0 =	sshrl.u32 s1, $0x1;
	s30 =	sadd.s32 $0x5000, s9;
	[sflag:s8] =	ssyncadd.s32 $0xFFFFC000  }
0x65: {  	[hbm4b:s30+s3] =	stream.linear.scatter [tilespmem:s6], [sflag:$0x3], $0x4000, $0x38;
	[tilespmem:$0x8600] =	vst v63  }
0x66: {  	s0 =	ssub.s32 s1, s0;
	_ =	swait.ge [sflag:s4], $0x4000  }
0x67: {  	s0 =	smax.u32 s0, $0x1;
	[sflag:s4] =	ssyncset.done $0x0  }
0x68: {  	p0 =	sne.s32 s0, $0x1;
	[sflag:s4] =	ssyncadd.s32 $0xFFFFC000  }
.Ltmp0:
0x69: {  	_ =	swait.ge [sflag:s11], $0x4000;
	(pc) =	sbr.rel @!p0 .LBB2_2-.Ltmp0, $4  }
0x6a: {  	[sflag:s11] =	ssyncset.done $0x0  }
0x6b: {  	s31 =	sadd.s32 $0x5800, s31;
	[sflag:s11] =	ssyncadd.s32 $0xFFFFC000  }
0x6c: {  	[hbm4b:s31+s3] =	stream.linear.scatter [tilespmem:s7], [sflag:$0x3], $0x4000, $0x38;
	[tilespmem:$0x8600] =	vst v63  }
0x6d: {  	s1 =	sadd.s32 $0xFFFFFFFF, s0;
	_ =	swait.ge [sflag:s4], $0x4000  }
.LBB2_1:
0x6e: {  	[sflag:s4] =	ssyncset.done $0x0  }
0x6f: {  	s0 =	rddreg [dreg:$0x3];
	[sflag:s4] =	ssyncadd.s32 $0xFFFFC000  }
0x70: {  	[tilespmem:s3], [sflag:$0x3] =	stream.linear.gather [hbm4b:s0+s3], $0x600, $0x38;
	[tilespmem:$0x8600] =	vst v63  }
0x71: {  	_ =	swait.ge [sflag:s4], $0x600  }
0x72: {  	[sflag:s4] =	ssyncset.done $0x0  }
0x73: {  	[sflag:s4] =	ssyncadd.s32 $0xFFFFFA00  }
0x74: {  	[tilespmem:s6], [sflag:$0x1] =	stream.indirect.gather [hbm4b:s2+s5], $0x80, s3, s5, $0xb8;
	[tilespmem:$0x8600] =	vst v63  }
0x75: {  	_ = 	snop  }
0x76: {  	[tilespmem:s7], [sflag:$0x2] =	stream.indirect.gather [hbm4b:s2+s5], $0x80, s5, s5, $0xb8;
	[tilespmem:$0x8600] =	vst v63  }
0x77: {  	_ =	swait.ge [sflag:s8], $0x4000  }
0x78: {  	[sflag:s8] =	ssyncset.done $0x0  }
0x79: {  	[sflag:s8] =	ssyncadd.s32 $0xFFFFC000  }
0x7a: {  	[hbm4b:s9+s3] =	stream.linear.scatter [tilespmem:s6], [sflag:$0x3], $0x4000, $0x38;
	[tilespmem:$0x8600] =	vst v63  }
0x7b: {  	_ =	swait.ge [sflag:s4], $0x4000  }
0x7c: {  	[sflag:s4] =	ssyncset.done $0x0  }
0x7d: {  	[sflag:s4] =	ssyncadd.s32 $0xFFFFC000  }
0x7e: {  	[tilespmem:s6], [sflag:$0x1] =	stream.indirect.gather [hbm4b:s2+s5], $0x80, s10, s5, $0xb8;
	[tilespmem:$0x8600] =	vst v63  }
0x7f: {  	_ =	swait.ge [sflag:s11], $0x4000  }
0x80: {  	[sflag:s11] =	ssyncset.done $0x0  }
0x81: {  	s0 =	rddreg [dreg:$0x4];
	[sflag:s11] =	ssyncadd.s32 $0xFFFFC000  }
0x82: {  	[hbm4b:s0+s3] =	stream.linear.scatter [tilespmem:s7], [sflag:$0x3], $0x4000, $0x38;
	[tilespmem:$0x8600] =	vst v63  }
0x83: {  	_ =	swait.ge [sflag:s4], $0x4000  }
0x84: {  	[sflag:s4] =	ssyncset.done $0x0  }
0x85: {  	[sflag:s4] =	ssyncadd.s32 $0xFFFFC000  }
0x86: {  	[tilespmem:s7], [sflag:$0x2] =	stream.indirect.gather [hbm4b:s2+s5], $0x80, s12, s5, $0xb8;
	[tilespmem:$0x8600] =	vst v63  }
0x87: {  	_ =	swait.ge [sflag:s8], $0x4000  }
0x88: {  	[sflag:s8] =	ssyncset.done $0x0  }
0x89: {  	[sflag:s8] =	ssyncadd.s32 $0xFFFFC000  }
0x8a: {  	[hbm4b:s13+s3] =	stream.linear.scatter [tilespmem:s6], [sflag:$0x3], $0x4000, $0x38;
	[tilespmem:$0x8600] =	vst v63  }
0x8b: {  	_ =	swait.ge [sflag:s4], $0x4000  }
0x8c: {  	[sflag:s4] =	ssyncset.done $0x0  }
0x8d: {  	[sflag:s4] =	ssyncadd.s32 $0xFFFFC000  }
0x8e: {  	[tilespmem:s6], [sflag:$0x1] =	stream.indirect.gather [hbm4b:s2+s5], $0x80, s14, s5, $0xb8;
	[tilespmem:$0x8600] =	vst v63  }
0x8f: {  	_ =	swait.ge [sflag:s11], $0x4000  }
0x90: {  	[sflag:s11] =	ssyncset.done $0x0  }
0x91: {  	[sflag:s11] =	ssyncadd.s32 $0xFFFFC000  }
0x92: {  	[hbm4b:s15+s3] =	stream.linear.scatter [tilespmem:s7], [sflag:$0x3], $0x4000, $0x38;
	[tilespmem:$0x8600] =	vst v63  }
0x93: {  	_ =	swait.ge [sflag:s4], $0x4000  }
0x94: {  	[sflag:s4] =	ssyncset.done $0x0  }
0x95: {  	[sflag:s4] =	ssyncadd.s32 $0xFFFFC000  }
0x96: {  	[tilespmem:s7], [sflag:$0x2] =	stream.indirect.gather [hbm4b:s2+s5], $0x80, s16, s5, $0xb8;
	[tilespmem:$0x8600] =	vst v63  }
0x97: {  	_ =	swait.ge [sflag:s8], $0x4000  }
0x98: {  	[sflag:s8] =	ssyncset.done $0x0  }
0x99: {  	[sflag:s8] =	ssyncadd.s32 $0xFFFFC000  }
0x9a: {  	[hbm4b:s17+s3] =	stream.linear.scatter [tilespmem:s6], [sflag:$0x3], $0x4000, $0x38;
	[tilespmem:$0x8600] =	vst v63  }
0x9b: {  	_ =	swait.ge [sflag:s4], $0x4000  }
0x9c: {  	[sflag:s4] =	ssyncset.done $0x0  }
0x9d: {  	[sflag:s4] =	ssyncadd.s32 $0xFFFFC000  }
0x9e: {  	[tilespmem:s6], [sflag:$0x1] =	stream.indirect.gather [hbm4b:s2+s5], $0x80, s18, s5, $0xb8;
	[tilespmem:$0x8600] =	vst v63  }
0x9f: {  	_ =	swait.ge [sflag:s11], $0x4000  }
0xa0: {  	[sflag:s11] =	ssyncset.done $0x0  }
0xa1: {  	[sflag:s11] =	ssyncadd.s32 $0xFFFFC000  }
0xa2: {  	[hbm4b:s19+s3] =	stream.linear.scatter [tilespmem:s7], [sflag:$0x3], $0x4000, $0x38;
	[tilespmem:$0x8600] =	vst v63  }
0xa3: {  	_ =	swait.ge [sflag:s4], $0x4000  }
0xa4: {  	[sflag:s4] =	ssyncset.done $0x0  }
0xa5: {  	[sflag:s4] =	ssyncadd.s32 $0xFFFFC000  }
0xa6: {  	[tilespmem:s7], [sflag:$0x2] =	stream.indirect.gather [hbm4b:s2+s5], $0x80, s20, s5, $0xb8;
	[tilespmem:$0x8600] =	vst v63  }
0xa7: {  	_ =	swait.ge [sflag:s8], $0x4000  }
0xa8: {  	[sflag:s8] =	ssyncset.done $0x0  }
0xa9: {  	[sflag:s8] =	ssyncadd.s32 $0xFFFFC000  }
0xaa: {  	[hbm4b:s21+s3] =	stream.linear.scatter [tilespmem:s6], [sflag:$0x3], $0x4000, $0x38;
	[tilespmem:$0x8600] =	vst v63  }
0xab: {  	_ =	swait.ge [sflag:s4], $0x4000  }
0xac: {  	[sflag:s4] =	ssyncset.done $0x0  }
0xad: {  	[sflag:s4] =	ssyncadd.s32 $0xFFFFC000  }
0xae: {  	[tilespmem:s6], [sflag:$0x1] =	stream.indirect.gather [hbm4b:s2+s5], $0x80, s22, s5, $0xb8;
	[tilespmem:$0x8600] =	vst v63  }
0xaf: {  	_ =	swait.ge [sflag:s11], $0x4000  }
0xb0: {  	[sflag:s11] =	ssyncset.done $0x0  }
0xb1: {  	[sflag:s11] =	ssyncadd.s32 $0xFFFFC000  }
0xb2: {  	[hbm4b:s23+s3] =	stream.linear.scatter [tilespmem:s7], [sflag:$0x3], $0x4000, $0x38;
	[tilespmem:$0x8600] =	vst v63  }
0xb3: {  	_ =	swait.ge [sflag:s4], $0x4000  }
0xb4: {  	[sflag:s4] =	ssyncset.done $0x0  }
0xb5: {  	[sflag:s4] =	ssyncadd.s32 $0xFFFFC000  }
0xb6: {  	[tilespmem:s7], [sflag:$0x2] =	stream.indirect.gather [hbm4b:s2+s5], $0x80, s24, s5, $0xb8;
	[tilespmem:$0x8600] =	vst v63  }
0xb7: {  	_ =	swait.ge [sflag:s8], $0x4000  }
0xb8: {  	[sflag:s8] =	ssyncset.done $0x0  }
0xb9: {  	[sflag:s8] =	ssyncadd.s32 $0xFFFFC000  }
0xba: {  	[hbm4b:s25+s3] =	stream.linear.scatter [tilespmem:s6], [sflag:$0x3], $0x4000, $0x38;
	[tilespmem:$0x8600] =	vst v63  }
0xbb: {  	_ =	swait.ge [sflag:s4], $0x4000  }
0xbc: {  	[sflag:s4] =	ssyncset.done $0x0  }
0xbd: {  	[sflag:s4] =	ssyncadd.s32 $0xFFFFC000  }
0xbe: {  	[tilespmem:s6], [sflag:$0x1] =	stream.indirect.gather [hbm4b:s2+s5], $0x80, s26, s5, $0xb8;
	[tilespmem:$0x8600] =	vst v63  }
0xbf: {  	_ =	swait.ge [sflag:s11], $0x4000  }
0xc0: {  	[sflag:s11] =	ssyncset.done $0x0  }
0xc1: {  	[sflag:s11] =	ssyncadd.s32 $0xFFFFC000  }
0xc2: {  	[hbm4b:s28+s3] =	stream.linear.scatter [tilespmem:s7], [sflag:$0x3], $0x4000, $0x38;
	[tilespmem:$0x8600] =	vst v63  }
0xc3: {  	_ =	swait.ge [sflag:s4], $0x4000  }
0xc4: {  	[sflag:s4] =	ssyncset.done $0x0  }
0xc5: {  	[sflag:s4] =	ssyncadd.s32 $0xFFFFC000  }
0xc6: {  	[tilespmem:s7], [sflag:$0x2] =	stream.indirect.gather [hbm4b:s2+s5], $0x80, s29, s5, $0xb8;
	[tilespmem:$0x8600] =	vst v63  }
0xc7: {  	_ =	swait.ge [sflag:s8], $0x4000  }
0xc8: {  	[sflag:s8] =	ssyncset.done $0x0  }
0xc9: {  	[sflag:s8] =	ssyncadd.s32 $0xFFFFC000  }
0xca: {  	[hbm4b:s30+s3] =	stream.linear.scatter [tilespmem:s6], [sflag:$0x3], $0x4000, $0x38;
	[tilespmem:$0x8600] =	vst v63  }
0xcb: {  	_ =	swait.ge [sflag:s4], $0x4000  }
0xcc: {  	[sflag:s4] =	ssyncset.done $0x0  }
0xcd: {  	p0 =	sne.s32 s1, $0x1;
	[sflag:s4] =	ssyncadd.s32 $0xFFFFC000  }
.Ltmp1:
0xce: {  	_ =	swait.ge [sflag:s11], $0x4000;
	(pc) =	sbr.rel @p0 .LBB2_1-.Ltmp1, $4  }
0xcf: {  	[sflag:s11] =	ssyncset.done $0x0  }
0xd0: {  	[sflag:s11] =	ssyncadd.s32 $0xFFFFC000  }
0xd1: {  	[hbm4b:s31+s3] =	stream.linear.scatter [tilespmem:s7], [sflag:$0x3], $0x4000, $0x38;
	[tilespmem:$0x8600] =	vst v63  }
0xd2: {  	s1 =	sadd.s32 $0xFFFFFFFF, s1;
	_ =	swait.ge [sflag:s4], $0x4000  }
.LBB2_2:
0xd3: {  	[sflag:s4] =	ssyncset.done $0x0  }
0xd4: {  	[sflag:s4] =	ssyncadd.s32 $0xFFFFC000  }
0xd5: {  	_ =	sfence.sel $0x180000  }
0xd6: {  	[bflag:$0x0] =	sbarrier.arrive $0xFFFF  }
0xd7: {  	_ =	strace $0x90000047  }
0xd8: {  	s0 =	stileid.u32;
	[bflag:$0x2] =	sbarrier.arrive $0xFFFF  }
0xd9: {  	p0 =	sne.s32 s0, $0x0;
	s0 =	rddreg [dreg:$0x2]  }
0xda: {  	s0 =	sadd.s32 @!p0 $0x100000, s0  }
0xdb: {  	[sflag:s0] =	ssyncadd.tile.s32 @!p0 $0x1;
	_ =	shalt  }
.Lfunc_end2:
_tile_overlayer_lowered:
.L_overlay_start_2:
0xdc: {  	(tag) =	ssettag $0x2  }
0xdd: {  	s0 =	rddreg [dreg:$0x0];
	s2 =	stileid.u32  }
0xde: {  	s1 =	rddreg [dreg:$0x1];
	p0 =	sne.s32 s2, $0x0  }
0xdf: {  	s3 =	rddreg [dreg:$0x2];
	[bflag:$0x3] =	sbarrier.arrive $0xFFFF;
	s2 =	simm.s32 @!p0 $0x1C03  }
0xe0: {  	[timem:s3], [sflag:s2] =	dma.local @!p0 [hbm:s0], s1  }
0xe1: {  	s0 =	simm.s32 @!p0 $0x3  }
0xe2: {  	_ =	swait.ge @!p0 [sflag:s0], s1  }
0xe3: {  	s1 =	ssub.s32 @!p0 $0x0, s1;
	[sflag:s0] =	ssyncset.done @!p0 $0x0  }
0xe4: {  	[sflag:s0] =	ssyncadd.s32 @!p0 s1  }
0xe5: {  	[bflag:$0x3] =	sbarrier.arrive $0xFFFF  }
0xe6: {  	_ =	shalt  }

</sc_bundles>
